<compile_context>
chip_gen: v7x
topology: tpu7x:2x2x1
jax: 0.10.2.dev20260603
libtpu: 0.0.44.dev20260713+nightly
codegen_flags: <defaults>
</compile_context>

<pallas_src>
import functools

import jax
import jax.numpy as jnp
from jax import lax
from jax.experimental import pallas as pl
from jax.experimental.pallas import tpu as pltpu
from jax.experimental.pallas import tpu_sc as plsc

N_NODES = 10000
N_EDGES = 320000
D = 128
L = 16
NC = 2
NS = 16
NW = NC * NS
EPT = N_EDGES // NW
CH = 80
NCHUNK = EPT // CH
ACC_ROWS = 10240
ROWS_PER_TILE = ACC_ROWS // NS
ZR = 128

BM = 1000


def _mm_body(x_ref, w_ref, o_ref):
    o_ref[...] = jnp.dot(x_ref[...], w_ref[...],
                         preferred_element_type=jnp.float32)


def _support(features, W):
    return pl.pallas_call(
        _mm_body,
        grid=(N_NODES // BM,),
        in_specs=[
            pl.BlockSpec((BM, D), lambda i: (i, 0)),
            pl.BlockSpec((D, D), lambda i: (0, 0)),
        ],
        out_specs=pl.BlockSpec((BM, D), lambda i: (i, 0)),
        out_shape=jax.ShapeDtypeStruct((N_NODES, D), jnp.float32),
    )(features, W)


_mesh = plsc.VectorSubcoreMesh(core_axis_name="c", subcore_axis_name="s")


def _splat(vec, k):
    idx = jnp.full((L, 1), k, jnp.int32)
    return lax.gather(
        vec, idx,
        lax.GatherDimensionNumbers(
            offset_dims=(), collapsed_slice_dims=(0,), start_index_map=(0,)),
        (1,), mode=lax.GatherScatterMode.PROMISE_IN_BOUNDS)


@functools.partial(
    pl.kernel,
    mesh=_mesh,
    out_type=jax.ShapeDtypeStruct((NC, ACC_ROWS, D), jnp.float32),
    scratch_types=[
        pltpu.VMEM((CH,), jnp.int32),
        pltpu.VMEM((CH,), jnp.int32),
        pltpu.VMEM((CH,), jnp.float32),
        pltpu.VMEM((CH, D), jnp.float32),
        pltpu.VMEM((ZR, D), jnp.float32),
        pltpu.VMEM_SHARED((ACC_ROWS, D), jnp.float32),
        pltpu.SemaphoreType.DMA,
    ],
)
def _sc_spmm(support_hbm, src_hbm, dst_hbm, w_hbm, out_hbm,
             src_v, dst_v, w_v, rows_v, zero_v, acc_sh, sem):
    c = lax.axis_index("c")
    s = lax.axis_index("s")
    wid = s * NC + c

    def _fill_zero(i, carry):
        for j in range(D // L):
            zero_v[i, pl.ds(j * L, L)] = jnp.zeros((L,), jnp.float32)
        return carry

    lax.fori_loop(0, ZR, _fill_zero, 0)
    row0 = s * ROWS_PER_TILE
    for t in range(ROWS_PER_TILE // ZR):
        pltpu.sync_copy(zero_v, acc_sh.at[pl.ds(row0 + t * ZR, ZR)])
    plsc.subcore_barrier()

    ebase = wid * EPT

    def _chunk(i, carry):
        base = pl.multiple_of(ebase + i * CH, 16)
        pltpu.sync_copy(src_hbm.at[pl.ds(base, CH)], src_v)
        pltpu.sync_copy(dst_hbm.at[pl.ds(base, CH)], dst_v)
        pltpu.sync_copy(w_hbm.at[pl.ds(base, CH)], w_v)
        pltpu.async_copy(support_hbm.at[src_v], rows_v, sem).wait()

        def _scale(g, inner):
            w16 = w_v[pl.ds(g * L, L)]
            for k in range(L):
                wspl = _splat(w16, k)
                e = g * L + k
                for j in range(D // L):
                    rows_v[e, pl.ds(j * L, L)] = (
                        rows_v[e, pl.ds(j * L, L)] * wspl)
            return inner

        lax.fori_loop(0, CH // L, _scale, 0)
        pltpu.sync_copy(rows_v, acc_sh.at[dst_v], add=True)
        return carry

    lax.fori_loop(0, NCHUNK, _chunk, 0)

    plsc.subcore_barrier()
    pltpu.sync_copy(acc_sh.at[pl.ds(row0, ROWS_PER_TILE)],
                    out_hbm.at[c, pl.ds(row0, ROWS_PER_TILE)])


def _combine_body(p_ref, o_ref):
    o_ref[...] = jnp.maximum(p_ref[0] + p_ref[1], 0.0)


def _combine(partials):
    return pl.pallas_call(
        _combine_body,
        grid=(N_NODES // BM,),
        in_specs=[pl.BlockSpec((NC, BM, D), lambda i: (0, i, 0))],
        out_specs=pl.BlockSpec((BM, D), lambda i: (i, 0)),
        out_shape=jax.ShapeDtypeStruct((N_NODES, D), jnp.float32),
    )(partials)


def kernel(features, edge_index, edge_weight, W):
    support = _support(features, W)
    dst = edge_index[0].astype(jnp.int32)
    src = edge_index[1].astype(jnp.int32)
    partials = _sc_spmm(support, src, dst, edge_weight.astype(jnp.float32))
    return _combine(partials)

# --- scband reference (transcript-rebuilt; emitter-appended) ---
"""Pipeline reference for scband-gnnlayer-63178968924284 (READ-ONLY COPY).

The authoritative reference and input builder live on the scoring server;
editing this copy changes nothing except your own understanding.
"""

import jax, jax.numpy as jnp
import numpy as np

N_NODES = 10000
N_EDGES = 320000
D_IN = 128
D_OUT = 128


def setup_inputs(seed: int = 0) -> dict:
    key = jax.random.key(seed)
    k1, k2, k3, k4 = jax.random.split(key, 4)
    features = jax.random.normal(k1, (N_NODES, D_IN), dtype=jnp.float32)
    edge_index = jax.random.randint(k2, (2, N_EDGES), 0, N_NODES, dtype=jnp.int64)
    edge_weight = jax.random.uniform(k3, (N_EDGES,), dtype=jnp.float32)
    # Xavier-uniform init for the learned weight, matching torch.nn.init.xavier_uniform_
    bound = float(np.sqrt(6.0 / (D_IN + D_OUT)))
    W = jax.random.uniform(k4, (D_IN, D_OUT), dtype=jnp.float32, minval=-bound, maxval=bound)
    return {"features": features, "edge_index": edge_index, "edge_weight": edge_weight, "W": W}


def reference(features, edge_index, edge_weight, W):
    # support = features @ weight
    support = features @ W
    # output = spmm(adj, support): adj is sparse [N, N] in COO form,
    # adj[dst, src] = edge_weight  =>  out[dst] += edge_weight * support[src]
    dst = edge_index[0]
    src = edge_index[1]
    gathered = jnp.take(support, src, axis=0) * edge_weight[:, None]
    output = jax.ops.segment_sum(gathered, dst, num_segments=N_NODES)
    # active=True -> relu
    return jax.nn.relu(output)

if __name__ == "__main__":
    import jax
    _d = setup_inputs()
    print(jax.jit(kernel)(*tuple(_d.values())))

</pallas_src>

<mosaic_0001>
#map = affine_map<(d0, d1) -> (0, 0)>
#map1 = affine_map<(d0, d1) -> (0)>
#map2 = affine_map<(d0, d1) -> (0, 0, 0)>
module attributes {stable_mosaic.version = 14 : i64} {
  func.func @_sc_spmm(%arg0: i32, %arg1: i32, %arg2: memref<10000x128xf32, #tpu.memory_space<hbm>>, %arg3: memref<320000xi32, #tpu.memory_space<hbm>>, %arg4: memref<320000xi32, #tpu.memory_space<hbm>>, %arg5: memref<320000xf32, #tpu.memory_space<hbm>>, %arg6: memref<2x10240x128xf32, #tpu.memory_space<hbm>>, %arg7: memref<80xi32, #tpu.memory_space<vmem>>, %arg8: memref<80xi32, #tpu.memory_space<vmem>>, %arg9: memref<80xf32, #tpu.memory_space<vmem>>, %arg10: memref<80x128xf32, #tpu.memory_space<vmem>>, %arg11: memref<128x128xf32, #tpu.memory_space<vmem>>, %arg12: memref<10240x128xf32, #tpu.memory_space<vmem_shared>>, %arg13: memref<!tpu.dma_semaphore, #tpu.memory_space<semaphore_mem>>) attributes {dimension_semantics = [#tpu.dimension_semantics<core_parallel>, #tpu.dimension_semantics<subcore_parallel>], iteration_bounds = array<i64: 2, 16>, scalar_prefetch = 0 : i64, scratch_operands = 7 : i64, tpu.core_type = #tpu.core_type<sc_vector_subcore>, window_params = [{transform_indices = #map}, {transform_indices = #map1}, {transform_indices = #map1}, {transform_indices = #map1}, {transform_indices = #map2}]} {
    %mul3A = arith.constant 2 : i32
    %mul3A_0 = arith.muli %arg1, %mul3A : i32
    %add3A = arith.addi %mul3A_0, %arg0 : i32
    %scan3A = arith.constant 0 : i32
    %scan3A_1 = arith.constant 0 : i32
    %scan3A_2 = arith.constant 128 : i32
    %scan3A_3 = arith.addi %scan3A_1, %scan3A_2 : i32
    %scan3A_4 = arith.constant 1 : i32
    scf.for %scan3A_27 = %scan3A_1 to %scan3A_3 step %scan3A_4  : i32 {
      %broadcast_in_dim3A = arith.constant 0.000000e+00 : f32
      %broadcast_in_dim3A_28 = vector.broadcast %broadcast_in_dim3A : f32 to vector<16xf32>
      %swap3A = arith.index_cast %scan3A_27 : i32 to index
      %swap3A_29 = arith.constant 0 : index
      %swap3A_30 = tpu.vector_load %arg11[%swap3A, %swap3A_29] {strides = array<i32>} : memref<128x128xf32, #tpu.memory_space<vmem>>, vector<1x16xf32>,
      %swap3A_31 = vector.shape_cast %swap3A_30 : vector<1x16xf32> to vector<16xf32>
      %swap3A_32 = vector.shape_cast %broadcast_in_dim3A_28 : vector<16xf32> to vector<1x16xf32>
      tpu.vector_store %arg11[%swap3A, %swap3A_29], %swap3A_32 {strides = array<i32>} : memref<128x128xf32, #tpu.memory_space<vmem>>, vector<1x16xf32>,
      %broadcast_in_dim3A_33 = arith.constant 0.000000e+00 : f32
      %broadcast_in_dim3A_34 = vector.broadcast %broadcast_in_dim3A_33 : f32 to vector<16xf32>
      %swap3A_35 = arith.index_cast %scan3A_27 : i32 to index
      %swap3A_36 = arith.constant 16 : index
      %swap3A_37 = tpu.vector_load %arg11[%swap3A_35, %swap3A_36] {strides = array<i32>} : memref<128x128xf32, #tpu.memory_space<vmem>>, vector<1x16xf32>,
      %swap3A_38 = vector.shape_cast %swap3A_37 : vector<1x16xf32> to vector<16xf32>
      %swap3A_39 = vector.shape_cast %broadcast_in_dim3A_34 : vector<16xf32> to vector<1x16xf32>
      tpu.vector_store %arg11[%swap3A_35, %swap3A_36], %swap3A_39 {strides = array<i32>} : memref<128x128xf32, #tpu.memory_space<vmem>>, vector<1x16xf32>,
      %broadcast_in_dim3A_40 = arith.constant 0.000000e+00 : f32
      %broadcast_in_dim3A_41 = vector.broadcast %broadcast_in_dim3A_40 : f32 to vector<16xf32>
      %swap3A_42 = arith.index_cast %scan3A_27 : i32 to index
      %swap3A_43 = arith.constant 32 : index
      %swap3A_44 = tpu.vector_load %arg11[%swap3A_42, %swap3A_43] {strides = array<i32>} : memref<128x128xf32, #tpu.memory_space<vmem>>, vector<1x16xf32>,
      %swap3A_45 = vector.shape_cast %swap3A_44 : vector<1x16xf32> to vector<16xf32>
      %swap3A_46 = vector.shape_cast %broadcast_in_dim3A_41 : vector<16xf32> to vector<1x16xf32>
      tpu.vector_store %arg11[%swap3A_42, %swap3A_43], %swap3A_46 {strides = array<i32>} : memref<128x128xf32, #tpu.memory_space<vmem>>, vector<1x16xf32>,
      %broadcast_in_dim3A_47 = arith.constant 0.000000e+00 : f32
      %broadcast_in_dim3A_48 = vector.broadcast %broadcast_in_dim3A_47 : f32 to vector<16xf32>
      %swap3A_49 = arith.index_cast %scan3A_27 : i32 to index
      %swap3A_50 = arith.constant 48 : index
      %swap3A_51 = tpu.vector_load %arg11[%swap3A_49, %swap3A_50] {strides = array<i32>} : memref<128x128xf32, #tpu.memory_space<vmem>>, vector<1x16xf32>,
      %swap3A_52 = vector.shape_cast %swap3A_51 : vector<1x16xf32> to vector<16xf32>
      %swap3A_53 = vector.shape_cast %broadcast_in_dim3A_48 : vector<16xf32> to vector<1x16xf32>
      tpu.vector_store %arg11[%swap3A_49, %swap3A_50], %swap3A_53 {strides = array<i32>} : memref<128x128xf32, #tpu.memory_space<vmem>>, vector<1x16xf32>,
      %broadcast_in_dim3A_54 = arith.constant 0.000000e+00 : f32
      %broadcast_in_dim3A_55 = vector.broadcast %broadcast_in_dim3A_54 : f32 to vector<16xf32>
      %swap3A_56 = arith.index_cast %scan3A_27 : i32 to index
      %swap3A_57 = arith.constant 64 : index
      %swap3A_58 = tpu.vector_load %arg11[%swap3A_56, %swap3A_57] {strides = array<i32>} : memref<128x128xf32, #tpu.memory_space<vmem>>, vector<1x16xf32>,
      %swap3A_59 = vector.shape_cast %swap3A_58 : vector<1x16xf32> to vector<16xf32>
      %swap3A_60 = vector.shape_cast %broadcast_in_dim3A_55 : vector<16xf32> to vector<1x16xf32>
      tpu.vector_store %arg11[%swap3A_56, %swap3A_57], %swap3A_60 {strides = array<i32>} : memref<128x128xf32, #tpu.memory_space<vmem>>, vector<1x16xf32>,
      %broadcast_in_dim3A_61 = arith.constant 0.000000e+00 : f32
      %broadcast_in_dim3A_62 = vector.broadcast %broadcast_in_dim3A_61 : f32 to vector<16xf32>
      %swap3A_63 = arith.index_cast %scan3A_27 : i32 to index
      %swap3A_64 = arith.constant 80 : index
      %swap3A_65 = tpu.vector_load %arg11[%swap3A_63, %swap3A_64] {strides = array<i32>} : memref<128x128xf32, #tpu.memory_space<vmem>>, vector<1x16xf32>,
      %swap3A_66 = vector.shape_cast %swap3A_65 : vector<1x16xf32> to vector<16xf32>
      %swap3A_67 = vector.shape_cast %broadcast_in_dim3A_62 : vector<16xf32> to vector<1x16xf32>
      tpu.vector_store %arg11[%swap3A_63, %swap3A_64], %swap3A_67 {strides = array<i32>} : memref<128x128xf32, #tpu.memory_space<vmem>>, vector<1x16xf32>,
      %broadcast_in_dim3A_68 = arith.constant 0.000000e+00 : f32
      %broadcast_in_dim3A_69 = vector.broadcast %broadcast_in_dim3A_68 : f32 to vector<16xf32>
      %swap3A_70 = arith.index_cast %scan3A_27 : i32 to index
      %swap3A_71 = arith.constant 96 : index
      %swap3A_72 = tpu.vector_load %arg11[%swap3A_70, %swap3A_71] {strides = array<i32>} : memref<128x128xf32, #tpu.memory_space<vmem>>, vector<1x16xf32>,
      %swap3A_73 = vector.shape_cast %swap3A_72 : vector<1x16xf32> to vector<16xf32>
      %swap3A_74 = vector.shape_cast %broadcast_in_dim3A_69 : vector<16xf32> to vector<1x16xf32>
      tpu.vector_store %arg11[%swap3A_70, %swap3A_71], %swap3A_74 {strides = array<i32>} : memref<128x128xf32, #tpu.memory_space<vmem>>, vector<1x16xf32>,
      %broadcast_in_dim3A_75 = arith.constant 0.000000e+00 : f32
      %broadcast_in_dim3A_76 = vector.broadcast %broadcast_in_dim3A_75 : f32 to vector<16xf32>
      %swap3A_77 = arith.index_cast %scan3A_27 : i32 to index
      %swap3A_78 = arith.constant 112 : index
      %swap3A_79 = tpu.vector_load %arg11[%swap3A_77, %swap3A_78] {strides = array<i32>} : memref<128x128xf32, #tpu.memory_space<vmem>>, vector<1x16xf32>,
      %swap3A_80 = vector.shape_cast %swap3A_79 : vector<1x16xf32> to vector<16xf32>
      %swap3A_81 = vector.shape_cast %broadcast_in_dim3A_76 : vector<16xf32> to vector<1x16xf32>
      tpu.vector_store %arg11[%swap3A_77, %swap3A_78], %swap3A_81 {strides = array<i32>} : memref<128x128xf32, #tpu.memory_space<vmem>>, vector<1x16xf32>,
    }
    %scan3A_5 = arith.constant 128 : i32
    %mul3A_6 = arith.constant 640 : i32
    %mul3A_7 = arith.muli %arg1, %mul3A_6 : i32
    %add3A_8 = arith.constant 0 : i32
    %add3A_9 = arith.addi %mul3A_7, %add3A_8 : i32
    "tpu.region"() ({
      %run_scoped3A = tpu.sem_alloc : memref<!tpu.dma_semaphore, #tpu.memory_space<semaphore_mem>>
      %dma_start3A = arith.constant 0 : i32
      %dma_start3A_27 = tpu.memref_slice %arg12[%add3A_9, %dma_start3A] : memref<10240x128xf32, #tpu.memory_space<vmem_shared>> -> memref<128x128xf32, #tpu.memory_space<vmem_shared>>
      %dma_start3A_28 = arith.constant 0 : i32
      %dma_start3A_29 = tpu.memref_slice %arg12[%add3A_9, %dma_start3A_28] : memref<10240x128xf32, #tpu.memory_space<vmem_shared>> -> memref<128x128xf32, #tpu.memory_space<vmem_shared>>
      tpu.enqueue_dma source(%arg11 : memref<128x128xf32, #tpu.memory_space<vmem>>) target(%dma_start3A_29 : memref<128x128xf32, #tpu.memory_space<vmem_shared>>) target_semaphore(%run_scoped3A : memref<!tpu.dma_semaphore, #tpu.memory_space<semaphore_mem>>)
      %dma_wait3A = arith.constant 0 : i32
      %dma_wait3A_30 = tpu.memref_slice %arg12[%add3A_9, %dma_wait3A] : memref<10240x128xf32, #tpu.memory_space<vmem_shared>> -> memref<128x128xf32, #tpu.memory_space<vmem_shared>>
      %dma_wait3A_31 = arith.constant 0 : i32
      %dma_wait3A_32 = tpu.memref_slice %arg12[%add3A_9, %dma_wait3A_31] : memref<10240x128xf32, #tpu.memory_space<vmem_shared>> -> memref<128x128xf32, #tpu.memory_space<vmem_shared>>
      tpu.wait_dma2 semaphore(%run_scoped3A : memref<!tpu.dma_semaphore, #tpu.memory_space<semaphore_mem>>) src(%arg11 : memref<128x128xf32, #tpu.memory_space<vmem>>) dst(%dma_wait3A_32 : memref<128x128xf32, #tpu.memory_space<vmem_shared>>)
      tpu.yield
    }) : () -> ()
    %add3A_10 = arith.constant 128 : i32
    %add3A_11 = arith.addi %mul3A_7, %add3A_10 : i32
    "tpu.region"() ({
      %run_scoped3A = tpu.sem_alloc : memref<!tpu.dma_semaphore, #tpu.memory_space<semaphore_mem>>
      %dma_start3A = arith.constant 0 : i32
      %dma_start3A_27 = tpu.memref_slice %arg12[%add3A_11, %dma_start3A] : memref<10240x128xf32, #tpu.memory_space<vmem_shared>> -> memref<128x128xf32, #tpu.memory_space<vmem_shared>>
      %dma_start3A_28 = arith.constant 0 : i32
      %dma_start3A_29 = tpu.memref_slice %arg12[%add3A_11, %dma_start3A_28] : memref<10240x128xf32, #tpu.memory_space<vmem_shared>> -> memref<128x128xf32, #tpu.memory_space<vmem_shared>>
      tpu.enqueue_dma source(%arg11 : memref<128x128xf32, #tpu.memory_space<vmem>>) target(%dma_start3A_29 : memref<128x128xf32, #tpu.memory_space<vmem_shared>>) target_semaphore(%run_scoped3A : memref<!tpu.dma_semaphore, #tpu.memory_space<semaphore_mem>>)
      %dma_wait3A = arith.constant 0 : i32
      %dma_wait3A_30 = tpu.memref_slice %arg12[%add3A_11, %dma_wait3A] : memref<10240x128xf32, #tpu.memory_space<vmem_shared>> -> memref<128x128xf32, #tpu.memory_space<vmem_shared>>
      %dma_wait3A_31 = arith.constant 0 : i32
      %dma_wait3A_32 = tpu.memref_slice %arg12[%add3A_11, %dma_wait3A_31] : memref<10240x128xf32, #tpu.memory_space<vmem_shared>> -> memref<128x128xf32, #tpu.memory_space<vmem_shared>>
      tpu.wait_dma2 semaphore(%run_scoped3A : memref<!tpu.dma_semaphore, #tpu.memory_space<semaphore_mem>>) src(%arg11 : memref<128x128xf32, #tpu.memory_space<vmem>>) dst(%dma_wait3A_32 : memref<128x128xf32, #tpu.memory_space<vmem_shared>>)
      tpu.yield
    }) : () -> ()
    %add3A_12 = arith.constant 256 : i32
    %add3A_13 = arith.addi %mul3A_7, %add3A_12 : i32
    "tpu.region"() ({
      %run_scoped3A = tpu.sem_alloc : memref<!tpu.dma_semaphore, #tpu.memory_space<semaphore_mem>>
      %dma_start3A = arith.constant 0 : i32
      %dma_start3A_27 = tpu.memref_slice %arg12[%add3A_13, %dma_start3A] : memref<10240x128xf32, #tpu.memory_space<vmem_shared>> -> memref<128x128xf32, #tpu.memory_space<vmem_shared>>
      %dma_start3A_28 = arith.constant 0 : i32
      %dma_start3A_29 = tpu.memref_slice %arg12[%add3A_13, %dma_start3A_28] : memref<10240x128xf32, #tpu.memory_space<vmem_shared>> -> memref<128x128xf32, #tpu.memory_space<vmem_shared>>
      tpu.enqueue_dma source(%arg11 : memref<128x128xf32, #tpu.memory_space<vmem>>) target(%dma_start3A_29 : memref<128x128xf32, #tpu.memory_space<vmem_shared>>) target_semaphore(%run_scoped3A : memref<!tpu.dma_semaphore, #tpu.memory_space<semaphore_mem>>)
      %dma_wait3A = arith.constant 0 : i32
      %dma_wait3A_30 = tpu.memref_slice %arg12[%add3A_13, %dma_wait3A] : memref<10240x128xf32, #tpu.memory_space<vmem_shared>> -> memref<128x128xf32, #tpu.memory_space<vmem_shared>>
      %dma_wait3A_31 = arith.constant 0 : i32
      %dma_wait3A_32 = tpu.memref_slice %arg12[%add3A_13, %dma_wait3A_31] : memref<10240x128xf32, #tpu.memory_space<vmem_shared>> -> memref<128x128xf32, #tpu.memory_space<vmem_shared>>
      tpu.wait_dma2 semaphore(%run_scoped3A : memref<!tpu.dma_semaphore, #tpu.memory_space<semaphore_mem>>) src(%arg11 : memref<128x128xf32, #tpu.memory_space<vmem>>) dst(%dma_wait3A_32 : memref<128x128xf32, #tpu.memory_space<vmem_shared>>)
      tpu.yield
    }) : () -> ()
    %add3A_14 = arith.constant 384 : i32
    %add3A_15 = arith.addi %mul3A_7, %add3A_14 : i32
    "tpu.region"() ({
      %run_scoped3A = tpu.sem_alloc : memref<!tpu.dma_semaphore, #tpu.memory_space<semaphore_mem>>
      %dma_start3A = arith.constant 0 : i32
      %dma_start3A_27 = tpu.memref_slice %arg12[%add3A_15, %dma_start3A] : memref<10240x128xf32, #tpu.memory_space<vmem_shared>> -> memref<128x128xf32, #tpu.memory_space<vmem_shared>>
      %dma_start3A_28 = arith.constant 0 : i32
      %dma_start3A_29 = tpu.memref_slice %arg12[%add3A_15, %dma_start3A_28] : memref<10240x128xf32, #tpu.memory_space<vmem_shared>> -> memref<128x128xf32, #tpu.memory_space<vmem_shared>>
      tpu.enqueue_dma source(%arg11 : memref<128x128xf32, #tpu.memory_space<vmem>>) target(%dma_start3A_29 : memref<128x128xf32, #tpu.memory_space<vmem_shared>>) target_semaphore(%run_scoped3A : memref<!tpu.dma_semaphore, #tpu.memory_space<semaphore_mem>>)
      %dma_wait3A = arith.constant 0 : i32
      %dma_wait3A_30 = tpu.memref_slice %arg12[%add3A_15, %dma_wait3A] : memref<10240x128xf32, #tpu.memory_space<vmem_shared>> -> memref<128x128xf32, #tpu.memory_space<vmem_shared>>
      %dma_wait3A_31 = arith.constant 0 : i32
      %dma_wait3A_32 = tpu.memref_slice %arg12[%add3A_15, %dma_wait3A_31] : memref<10240x128xf32, #tpu.memory_space<vmem_shared>> -> memref<128x128xf32, #tpu.memory_space<vmem_shared>>
      tpu.wait_dma2 semaphore(%run_scoped3A : memref<!tpu.dma_semaphore, #tpu.memory_space<semaphore_mem>>) src(%arg11 : memref<128x128xf32, #tpu.memory_space<vmem>>) dst(%dma_wait3A_32 : memref<128x128xf32, #tpu.memory_space<vmem_shared>>)
      tpu.yield
    }) : () -> ()
    %add3A_16 = arith.constant 512 : i32
    %add3A_17 = arith.addi %mul3A_7, %add3A_16 : i32
    "tpu.region"() ({
      %run_scoped3A = tpu.sem_alloc : memref<!tpu.dma_semaphore, #tpu.memory_space<semaphore_mem>>
      %dma_start3A = arith.constant 0 : i32
      %dma_start3A_27 = tpu.memref_slice %arg12[%add3A_17, %dma_start3A] : memref<10240x128xf32, #tpu.memory_space<vmem_shared>> -> memref<128x128xf32, #tpu.memory_space<vmem_shared>>
      %dma_start3A_28 = arith.constant 0 : i32
      %dma_start3A_29 = tpu.memref_slice %arg12[%add3A_17, %dma_start3A_28] : memref<10240x128xf32, #tpu.memory_space<vmem_shared>> -> memref<128x128xf32, #tpu.memory_space<vmem_shared>>
      tpu.enqueue_dma source(%arg11 : memref<128x128xf32, #tpu.memory_space<vmem>>) target(%dma_start3A_29 : memref<128x128xf32, #tpu.memory_space<vmem_shared>>) target_semaphore(%run_scoped3A : memref<!tpu.dma_semaphore, #tpu.memory_space<semaphore_mem>>)
      %dma_wait3A = arith.constant 0 : i32
      %dma_wait3A_30 = tpu.memref_slice %arg12[%add3A_17, %dma_wait3A] : memref<10240x128xf32, #tpu.memory_space<vmem_shared>> -> memref<128x128xf32, #tpu.memory_space<vmem_shared>>
      %dma_wait3A_31 = arith.constant 0 : i32
      %dma_wait3A_32 = tpu.memref_slice %arg12[%add3A_17, %dma_wait3A_31] : memref<10240x128xf32, #tpu.memory_space<vmem_shared>> -> memref<128x128xf32, #tpu.memory_space<vmem_shared>>
      tpu.wait_dma2 semaphore(%run_scoped3A : memref<!tpu.dma_semaphore, #tpu.memory_space<semaphore_mem>>) src(%arg11 : memref<128x128xf32, #tpu.memory_space<vmem>>) dst(%dma_wait3A_32 : memref<128x128xf32, #tpu.memory_space<vmem_shared>>)
      tpu.yield
    }) : () -> ()
    %barrier3A = arith.constant 0 : index
    tpu.barrier barrier_id(%barrier3A)
    %mul3A_18 = arith.constant 10000 : i32
    %mul3A_19 = arith.muli %add3A, %mul3A_18 : i32
    %scan3A_20 = arith.constant 0 : i32
    %scan3A_21 = arith.constant 0 : i32
    %scan3A_22 = arith.constant 125 : i32
    %scan3A_23 = arith.addi %scan3A_21, %scan3A_22 : i32
    %scan3A_24 = arith.constant 1 : i32
    scf.for %scan3A_27 = %scan3A_21 to %scan3A_23 step %scan3A_24  : i32 {
      %mul3A_28 = arith.constant 80 : i32
      %mul3A_29 = arith.muli %scan3A_27, %mul3A_28 : i32
      %add3A_30 = arith.addi %mul3A_19, %mul3A_29 : i32
      %multiple_of3A = tpu.assume_multiple %add3A_30, 16 : i32
      "tpu.region"() ({
        %run_scoped3A = tpu.sem_alloc : memref<!tpu.dma_semaphore, #tpu.memory_space<semaphore_mem>>
        %dma_start3A_41 = tpu.memref_slice %arg3[%multiple_of3A] : memref<320000xi32, #tpu.memory_space<hbm>> -> memref<80xi32, #tpu.memory_space<hbm>>
        %dma_start3A_42 = tpu.memref_slice %arg3[%multiple_of3A] : memref<320000xi32, #tpu.memory_space<hbm>> -> memref<80xi32, #tpu.memory_space<hbm>>
        tpu.enqueue_dma source(%dma_start3A_42 : memref<80xi32, #tpu.memory_space<hbm>>) target(%arg7 : memref<80xi32, #tpu.memory_space<vmem>>) target_semaphore(%run_scoped3A : memref<!tpu.dma_semaphore, #tpu.memory_space<semaphore_mem>>)
        %dma_wait3A_43 = tpu.memref_slice %arg3[%multiple_of3A] : memref<320000xi32, #tpu.memory_space<hbm>> -> memref<80xi32, #tpu.memory_space<hbm>>
        %dma_wait3A_44 = tpu.memref_slice %arg3[%multiple_of3A] : memref<320000xi32, #tpu.memory_space<hbm>> -> memref<80xi32, #tpu.memory_space<hbm>>
        tpu.wait_dma2 semaphore(%run_scoped3A : memref<!tpu.dma_semaphore, #tpu.memory_space<semaphore_mem>>) src(%dma_wait3A_44 : memref<80xi32, #tpu.memory_space<hbm>>) dst(%arg7 : memref<80xi32, #tpu.memory_space<vmem>>)
        tpu.yield
      }) : () -> ()
      "tpu.region"() ({
        %run_scoped3A = tpu.sem_alloc : memref<!tpu.dma_semaphore, #tpu.memory_space<semaphore_mem>>
        %dma_start3A_41 = tpu.memref_slice %arg4[%multiple_of3A] : memref<320000xi32, #tpu.memory_space<hbm>> -> memref<80xi32, #tpu.memory_space<hbm>>
        %dma_start3A_42 = tpu.memref_slice %arg4[%multiple_of3A] : memref<320000xi32, #tpu.memory_space<hbm>> -> memref<80xi32, #tpu.memory_space<hbm>>
        tpu.enqueue_dma source(%dma_start3A_42 : memref<80xi32, #tpu.memory_space<hbm>>) target(%arg8 : memref<80xi32, #tpu.memory_space<vmem>>) target_semaphore(%run_scoped3A : memref<!tpu.dma_semaphore, #tpu.memory_space<semaphore_mem>>)
        %dma_wait3A_43 = tpu.memref_slice %arg4[%multiple_of3A] : memref<320000xi32, #tpu.memory_space<hbm>> -> memref<80xi32, #tpu.memory_space<hbm>>
        %dma_wait3A_44 = tpu.memref_slice %arg4[%multiple_of3A] : memref<320000xi32, #tpu.memory_space<hbm>> -> memref<80xi32, #tpu.memory_space<hbm>>
        tpu.wait_dma2 semaphore(%run_scoped3A : memref<!tpu.dma_semaphore, #tpu.memory_space<semaphore_mem>>) src(%dma_wait3A_44 : memref<80xi32, #tpu.memory_space<hbm>>) dst(%arg8 : memref<80xi32, #tpu.memory_space<vmem>>)
        tpu.yield
      }) : () -> ()
      "tpu.region"() ({
        %run_scoped3A = tpu.sem_alloc : memref<!tpu.dma_semaphore, #tpu.memory_space<semaphore_mem>>
        %dma_start3A_41 = tpu.memref_slice %arg5[%multiple_of3A] : memref<320000xf32, #tpu.memory_space<hbm>> -> memref<80xf32, #tpu.memory_space<hbm>>
        %dma_start3A_42 = tpu.memref_slice %arg5[%multiple_of3A] : memref<320000xf32, #tpu.memory_space<hbm>> -> memref<80xf32, #tpu.memory_space<hbm>>
        tpu.enqueue_dma source(%dma_start3A_42 : memref<80xf32, #tpu.memory_space<hbm>>) target(%arg9 : memref<80xf32, #tpu.memory_space<vmem>>) target_semaphore(%run_scoped3A : memref<!tpu.dma_semaphore, #tpu.memory_space<semaphore_mem>>)
        %dma_wait3A_43 = tpu.memref_slice %arg5[%multiple_of3A] : memref<320000xf32, #tpu.memory_space<hbm>> -> memref<80xf32, #tpu.memory_space<hbm>>
        %dma_wait3A_44 = tpu.memref_slice %arg5[%multiple_of3A] : memref<320000xf32, #tpu.memory_space<hbm>> -> memref<80xf32, #tpu.memory_space<hbm>>
        tpu.wait_dma2 semaphore(%run_scoped3A : memref<!tpu.dma_semaphore, #tpu.memory_space<semaphore_mem>>) src(%dma_wait3A_44 : memref<80xf32, #tpu.memory_space<hbm>>) dst(%arg9 : memref<80xf32, #tpu.memory_space<vmem>>)
        tpu.yield
      }) : () -> ()
      %dma_start3A = arith.constant 0 : i32
      %dma_start3A_31 = arith.constant 0 : i32
      %dma_start3A_32 = tpu.memref_slice %arg2[%dma_start3A, %dma_start3A_31] : memref<10000x128xf32, #tpu.memory_space<hbm>> -> memref<10000x128xf32, #tpu.memory_space<hbm>>
      tpu.enqueue_indirect_dma source(%dma_start3A_32 : memref<10000x128xf32, #tpu.memory_space<hbm>>) target(%arg10 : memref<80x128xf32, #tpu.memory_space<vmem>>) offsets(%arg7 : memref<80xi32, #tpu.memory_space<vmem>>) semaphore(%arg13 : memref<!tpu.dma_semaphore, #tpu.memory_space<semaphore_mem>>)
      %dma_wait3A = arith.constant 0 : i32
      %dma_wait3A_33 = arith.constant 0 : i32
      %dma_wait3A_34 = tpu.memref_slice %arg2[%dma_wait3A, %dma_wait3A_33] : memref<10000x128xf32, #tpu.memory_space<hbm>> -> memref<10000x128xf32, #tpu.memory_space<hbm>>
      tpu.wait_indirect_dma semaphore(%arg13 : memref<!tpu.dma_semaphore, #tpu.memory_space<semaphore_mem>>) src(%dma_wait3A_34 : memref<10000x128xf32, #tpu.memory_space<hbm>>) dst(%arg10 : memref<80x128xf32, #tpu.memory_space<vmem>>)
      %scan3A_35 = arith.constant 0 : i32
      %scan3A_36 = arith.constant 0 : i32
      %scan3A_37 = arith.constant 5 : i32
      %scan3A_38 = arith.addi %scan3A_36, %scan3A_37 : i32
      %scan3A_39 = arith.constant 1 : i32
      scf.for %scan3A_41 = %scan3A_36 to %scan3A_38 step %scan3A_39  : i32 {
        %mul3A_42 = arith.constant 16 : i32
        %mul3A_43 = arith.muli %scan3A_41, %mul3A_42 : i32
        %get3A = arith.index_cast %mul3A_43 : i32 to index
        %get3A_44 = tpu.vector_load %arg9[%get3A] {strides = array<i32>} : memref<80xf32, #tpu.memory_space<vmem>>, vector<16xf32>,
        %get3A_45 = vector.shape_cast %get3A_44 : vector<16xf32> to vector<16xf32>
        %broadcast_in_dim3A = arith.constant 0 : i32
        %broadcast_in_dim3A_46 = vector.broadcast %broadcast_in_dim3A : i32 to vector<16x1xi32>
        %gather3A = vector.shape_cast %broadcast_in_dim3A_46 : vector<16x1xi32> to vector<16xi32>
        %gather3A_47 = tpu.dynamic_gather %get3A_45[%gather3A] in [0] : vector<16xf32>, vector<16xi32> -> vector<16xf32>
        %mul3A_48 = arith.constant 16 : i32
        %mul3A_49 = arith.muli %scan3A_41, %mul3A_48 : i32
        %add3A_50 = arith.constant 0 : i32
        %add3A_51 = arith.addi %mul3A_49, %add3A_50 : i32
        %get3A_52 = arith.index_cast %add3A_51 : i32 to index
        %get3A_53 = arith.constant 0 : index
        %get3A_54 = tpu.vector_load %arg10[%get3A_52, %get3A_53] {strides = array<i32>} : memref<80x128xf32, #tpu.memory_space<vmem>>, vector<1x16xf32>,
        %get3A_55 = vector.shape_cast %get3A_54 : vector<1x16xf32> to vector<16xf32>
        %mul3A_56 = arith.mulf %get3A_55, %gather3A_47 : vector<16xf32>
        %swap3A = arith.index_cast %add3A_51 : i32 to index
        %swap3A_57 = arith.constant 0 : index
        %swap3A_58 = tpu.vector_load %arg10[%swap3A, %swap3A_57] {strides = array<i32>} : memref<80x128xf32, #tpu.memory_space<vmem>>, vector<1x16xf32>,
        %swap3A_59 = vector.shape_cast %swap3A_58 : vector<1x16xf32> to vector<16xf32>
        %swap3A_60 = vector.shape_cast %mul3A_56 : vector<16xf32> to vector<1x16xf32>
        tpu.vector_store %arg10[%swap3A, %swap3A_57], %swap3A_60 {strides = array<i32>} : memref<80x128xf32, #tpu.memory_space<vmem>>, vector<1x16xf32>,
        %get3A_61 = arith.index_cast %add3A_51 : i32 to index
        %get3A_62 = arith.constant 16 : index
        %get3A_63 = tpu.vector_load %arg10[%get3A_61, %get3A_62] {strides = array<i32>} : memref<80x128xf32, #tpu.memory_space<vmem>>, vector<1x16xf32>,
        %get3A_64 = vector.shape_cast %get3A_63 : vector<1x16xf32> to vector<16xf32>
        %mul3A_65 = arith.mulf %get3A_64, %gather3A_47 : vector<16xf32>
        %swap3A_66 = arith.index_cast %add3A_51 : i32 to index
        %swap3A_67 = arith.constant 16 : index
        %swap3A_68 = tpu.vector_load %arg10[%swap3A_66, %swap3A_67] {strides = array<i32>} : memref<80x128xf32, #tpu.memory_space<vmem>>, vector<1x16xf32>,
        %swap3A_69 = vector.shape_cast %swap3A_68 : vector<1x16xf32> to vector<16xf32>
        %swap3A_70 = vector.shape_cast %mul3A_65 : vector<16xf32> to vector<1x16xf32>
        tpu.vector_store %arg10[%swap3A_66, %swap3A_67], %swap3A_70 {strides = array<i32>} : memref<80x128xf32, #tpu.memory_space<vmem>>, vector<1x16xf32>,
        %get3A_71 = arith.index_cast %add3A_51 : i32 to index
        %get3A_72 = arith.constant 32 : index
        %get3A_73 = tpu.vector_load %arg10[%get3A_71, %get3A_72] {strides = array<i32>} : memref<80x128xf32, #tpu.memory_space<vmem>>, vector<1x16xf32>,
        %get3A_74 = vector.shape_cast %get3A_73 : vector<1x16xf32> to vector<16xf32>
        %mul3A_75 = arith.mulf %get3A_74, %gather3A_47 : vector<16xf32>
        %swap3A_76 = arith.index_cast %add3A_51 : i32 to index
        %swap3A_77 = arith.constant 32 : index
        %swap3A_78 = tpu.vector_load %arg10[%swap3A_76, %swap3A_77] {strides = array<i32>} : memref<80x128xf32, #tpu.memory_space<vmem>>, vector<1x16xf32>,
        %swap3A_79 = vector.shape_cast %swap3A_78 : vector<1x16xf32> to vector<16xf32>
        %swap3A_80 = vector.shape_cast %mul3A_75 : vector<16xf32> to vector<1x16xf32>
        tpu.vector_store %arg10[%swap3A_76, %swap3A_77], %swap3A_80 {strides = array<i32>} : memref<80x128xf32, #tpu.memory_space<vmem>>, vector<1x16xf32>,
        %get3A_81 = arith.index_cast %add3A_51 : i32 to index
        %get3A_82 = arith.constant 48 : index
        %get3A_83 = tpu.vector_load %arg10[%get3A_81, %get3A_82] {strides = array<i32>} : memref<80x128xf32, #tpu.memory_space<vmem>>, vector<1x16xf32>,
        %get3A_84 = vector.shape_cast %get3A_83 : vector<1x16xf32> to vector<16xf32>
        %mul3A_85 = arith.mulf %get3A_84, %gather3A_47 : vector<16xf32>
        %swap3A_86 = arith.index_cast %add3A_51 : i32 to index
        %swap3A_87 = arith.constant 48 : index
        %swap3A_88 = tpu.vector_load %arg10[%swap3A_86, %swap3A_87] {strides = array<i32>} : memref<80x128xf32, #tpu.memory_space<vmem>>, vector<1x16xf32>,
        %swap3A_89 = vector.shape_cast %swap3A_88 : vector<1x16xf32> to vector<16xf32>
        %swap3A_90 = vector.shape_cast %mul3A_85 : vector<16xf32> to vector<1x16xf32>
        tpu.vector_store %arg10[%swap3A_86, %swap3A_87], %swap3A_90 {strides = array<i32>} : memref<80x128xf32, #tpu.memory_space<vmem>>, vector<1x16xf32>,
        %get3A_91 = arith.index_cast %add3A_51 : i32 to index
        %get3A_92 = arith.constant 64 : index
        %get3A_93 = tpu.vector_load %arg10[%get3A_91, %get3A_92] {strides = array<i32>} : memref<80x128xf32, #tpu.memory_space<vmem>>, vector<1x16xf32>,
        %get3A_94 = vector.shape_cast %get3A_93 : vector<1x16xf32> to vector<16xf32>
        %mul3A_95 = arith.mulf %get3A_94, %gather3A_47 : vector<16xf32>
        %swap3A_96 = arith.index_cast %add3A_51 : i32 to index
        %swap3A_97 = arith.constant 64 : index
        %swap3A_98 = tpu.vector_load %arg10[%swap3A_96, %swap3A_97] {strides = array<i32>} : memref<80x128xf32, #tpu.memory_space<vmem>>, vector<1x16xf32>,
        %swap3A_99 = vector.shape_cast %swap3A_98 : vector<1x16xf32> to vector<16xf32>
        %swap3A_100 = vector.shape_cast %mul3A_95 : vector<16xf32> to vector<1x16xf32>
        tpu.vector_store %arg10[%swap3A_96, %swap3A_97], %swap3A_100 {strides = array<i32>} : memref<80x128xf32, #tpu.memory_space<vmem>>, vector<1x16xf32>,
        %get3A_101 = arith.index_cast %add3A_51 : i32 to index
        %get3A_102 = arith.constant 80 : index
        %get3A_103 = tpu.vector_load %arg10[%get3A_101, %get3A_102] {strides = array<i32>} : memref<80x128xf32, #tpu.memory_space<vmem>>, vector<1x16xf32>,
        %get3A_104 = vector.shape_cast %get3A_103 : vector<1x16xf32> to vector<16xf32>
        %mul3A_105 = arith.mulf %get3A_104, %gather3A_47 : vector<16xf32>
        %swap3A_106 = arith.index_cast %add3A_51 : i32 to index
        %swap3A_107 = arith.constant 80 : index
        %swap3A_108 = tpu.vector_load %arg10[%swap3A_106, %swap3A_107] {strides = array<i32>} : memref<80x128xf32, #tpu.memory_space<vmem>>, vector<1x16xf32>,
        %swap3A_109 = vector.shape_cast %swap3A_108 : vector<1x16xf32> to vector<16xf32>
        %swap3A_110 = vector.shape_cast %mul3A_105 : vector<16xf32> to vector<1x16xf32>
        tpu.vector_store %arg10[%swap3A_106, %swap3A_107], %swap3A_110 {strides = array<i32>} : memref<80x128xf32, #tpu.memory_space<vmem>>, vector<1x16xf32>,
        %get3A_111 = arith.index_cast %add3A_51 : i32 to index
        %get3A_112 = arith.constant 96 : index
        %get3A_113 = tpu.vector_load %arg10[%get3A_111, %get3A_112] {strides = array<i32>} : memref<80x128xf32, #tpu.memory_space<vmem>>, vector<1x16xf32>,
        %get3A_114 = vector.shape_cast %get3A_113 : vector<1x16xf32> to vector<16xf32>
        %mul3A_115 = arith.mulf %get3A_114, %gather3A_47 : vector<16xf32>
        %swap3A_116 = arith.index_cast %add3A_51 : i32 to index
        %swap3A_117 = arith.constant 96 : index
        %swap3A_118 = tpu.vector_load %arg10[%swap3A_116, %swap3A_117] {strides = array<i32>} : memref<80x128xf32, #tpu.memory_space<vmem>>, vector<1x16xf32>,
        %swap3A_119 = vector.shape_cast %swap3A_118 : vector<1x16xf32> to vector<16xf32>
        %swap3A_120 = vector.shape_cast %mul3A_115 : vector<16xf32> to vector<1x16xf32>
        tpu.vector_store %arg10[%swap3A_116, %swap3A_117], %swap3A_120 {strides = array<i32>} : memref<80x128xf32, #tpu.memory_space<vmem>>, vector<1x16xf32>,
        %get3A_121 = arith.index_cast %add3A_51 : i32 to index
        %get3A_122 = arith.constant 112 : index
        %get3A_123 = tpu.vector_load %arg10[%get3A_121, %get3A_122] {strides = array<i32>} : memref<80x128xf32, #tpu.memory_space<vmem>>, vector<1x16xf32>,
        %get3A_124 = vector.shape_cast %get3A_123 : vector<1x16xf32> to vector<16xf32>
        %mul3A_125 = arith.mulf %get3A_124, %gather3A_47 : vector<16xf32>
        %swap3A_126 = arith.index_cast %add3A_51 : i32 to index
        %swap3A_127 = arith.constant 112 : index
        %swap3A_128 = tpu.vector_load %arg10[%swap3A_126, %swap3A_127] {strides = array<i32>} : memref<80x128xf32, #tpu.memory_space<vmem>>, vector<1x16xf32>,
        %swap3A_129 = vector.shape_cast %swap3A_128 : vector<1x16xf32> to vector<16xf32>
        %swap3A_130 = vector.shape_cast %mul3A_125 : vector<16xf32> to vector<1x16xf32>
        tpu.vector_store %arg10[%swap3A_126, %swap3A_127], %swap3A_130 {strides = array<i32>} : memref<80x128xf32, #tpu.memory_space<vmem>>, vector<1x16xf32>,
        %broadcast_in_dim3A_131 = arith.constant 1 : i32
        %broadcast_in_dim3A_132 = vector.broadcast %broadcast_in_dim3A_131 : i32 to vector<16x1xi32>
        %gather3A_133 = vector.shape_cast %broadcast_in_dim3A_132 : vector<16x1xi32> to vector<16xi32>
        %gather3A_134 = tpu.dynamic_gather %get3A_45[%gather3A_133] in [0] : vector<16xf32>, vector<16xi32> -> vector<16xf32>
        %mul3A_135 = arith.constant 16 : i32
        %mul3A_136 = arith.muli %scan3A_41, %mul3A_135 : i32
        %add3A_137 = arith.constant 1 : i32
        %add3A_138 = arith.addi %mul3A_136, %add3A_137 : i32
        %get3A_139 = arith.index_cast %add3A_138 : i32 to index
        %get3A_140 = arith.constant 0 : index
        %get3A_141 = tpu.vector_load %arg10[%get3A_139, %get3A_140] {strides = array<i32>} : memref<80x128xf32, #tpu.memory_space<vmem>>, vector<1x16xf32>,
        %get3A_142 = vector.shape_cast %get3A_141 : vector<1x16xf32> to vector<16xf32>
        %mul3A_143 = arith.mulf %get3A_142, %gather3A_134 : vector<16xf32>
        %swap3A_144 = arith.index_cast %add3A_138 : i32 to index
        %swap3A_145 = arith.constant 0 : index
        %swap3A_146 = tpu.vector_load %arg10[%swap3A_144, %swap3A_145] {strides = array<i32>} : memref<80x128xf32, #tpu.memory_space<vmem>>, vector<1x16xf32>,
        %swap3A_147 = vector.shape_cast %swap3A_146 : vector<1x16xf32> to vector<16xf32>
        %swap3A_148 = vector.shape_cast %mul3A_143 : vector<16xf32> to vector<1x16xf32>
        tpu.vector_store %arg10[%swap3A_144, %swap3A_145], %swap3A_148 {strides = array<i32>} : memref<80x128xf32, #tpu.memory_space<vmem>>, vector<1x16xf32>,
        %get3A_149 = arith.index_cast %add3A_138 : i32 to index
        %get3A_150 = arith.constant 16 : index
        %get3A_151 = tpu.vector_load %arg10[%get3A_149, %get3A_150] {strides = array<i32>} : memref<80x128xf32, #tpu.memory_space<vmem>>, vector<1x16xf32>,
        %get3A_152 = vector.shape_cast %get3A_151 : vector<1x16xf32> to vector<16xf32>
        %mul3A_153 = arith.mulf %get3A_152, %gather3A_134 : vector<16xf32>
        %swap3A_154 = arith.index_cast %add3A_138 : i32 to index
        %swap3A_155 = arith.constant 16 : index
        %swap3A_156 = tpu.vector_load %arg10[%swap3A_154, %swap3A_155] {strides = array<i32>} : memref<80x128xf32, #tpu.memory_space<vmem>>, vector<1x16xf32>,
        %swap3A_157 = vector.shape_cast %swap3A_156 : vector<1x16xf32> to vector<16xf32>
        %swap3A_158 = vector.shape_cast %mul3A_153 : vector<16xf32> to vector<1x16xf32>
        tpu.vector_store %arg10[%swap3A_154, %swap3A_155], %swap3A_158 {strides = array<i32>} : memref<80x128xf32, #tpu.memory_space<vmem>>, vector<1x16xf32>,
        %get3A_159 = arith.index_cast %add3A_138 : i32 to index
        %get3A_160 = arith.constant 32 : index
        %get3A_161 = tpu.vector_load %arg10[%get3A_159, %get3A_160] {strides = array<i32>} : memref<80x128xf32, #tpu.memory_space<vmem>>, vector<1x16xf32>,
        %get3A_162 = vector.shape_cast %get3A_161 : vector<1x16xf32> to vector<16xf32>
        %mul3A_163 = arith.mulf %get3A_162, %gather3A_134 : vector<16xf32>
        %swap3A_164 = arith.index_cast %add3A_138 : i32 to index
        %swap3A_165 = arith.constant 32 : index
        %swap3A_166 = tpu.vector_load %arg10[%swap3A_164, %swap3A_165] {strides = array<i32>} : memref<80x128xf32, #tpu.memory_space<vmem>>, vector<1x16xf32>,
        %swap3A_167 = vector.shape_cast %swap3A_166 : vector<1x16xf32> to vector<16xf32>
        %swap3A_168 = vector.shape_cast %mul3A_163 : vector<16xf32> to vector<1x16xf32>
        tpu.vector_store %arg10[%swap3A_164, %swap3A_165], %swap3A_168 {strides = array<i32>} : memref<80x128xf32, #tpu.memory_space<vmem>>, vector<1x16xf32>,
        %get3A_169 = arith.index_cast %add3A_138 : i32 to index
        %get3A_170 = arith.constant 48 : index
        %get3A_171 = tpu.vector_load %arg10[%get3A_169, %get3A_170] {strides = array<i32>} : memref<80x128xf32, #tpu.memory_space<vmem>>, vector<1x16xf32>,
        %get3A_172 = vector.shape_cast %get3A_171 : vector<1x16xf32> to vector<16xf32>
        %mul3A_173 = arith.mulf %get3A_172, %gather3A_134 : vector<16xf32>
        %swap3A_174 = arith.index_cast %add3A_138 : i32 to index
        %swap3A_175 = arith.constant 48 : index
        %swap3A_176 = tpu.vector_load %arg10[%swap3A_174, %swap3A_175] {strides = array<i32>} : memref<80x128xf32, #tpu.memory_space<vmem>>, vector<1x16xf32>,
        %swap3A_177 = vector.shape_cast %swap3A_176 : vector<1x16xf32> to vector<16xf32>
        %swap3A_178 = vector.shape_cast %mul3A_173 : vector<16xf32> to vector<1x16xf32>
        tpu.vector_store %arg10[%swap3A_174, %swap3A_175], %swap3A_178 {strides = array<i32>} : memref<80x128xf32, #tpu.memory_space<vmem>>, vector<1x16xf32>,
        %get3A_179 = arith.index_cast %add3A_138 : i32 to index
        %get3A_180 = arith.constant 64 : index
        %get3A_181 = tpu.vector_load %arg10[%get3A_179, %get3A_180] {strides = array<i32>} : memref<80x128xf32, #tpu.memory_space<vmem>>, vector<1x16xf32>,
        %get3A_182 = vector.shape_cast %get3A_181 : vector<1x16xf32> to vector<16xf32>
        %mul3A_183 = arith.mulf %get3A_182, %gather3A_134 : vector<16xf32>
        %swap3A_184 = arith.index_cast %add3A_138 : i32 to index
        %swap3A_185 = arith.constant 64 : index
        %swap3A_186 = tpu.vector_load %arg10[%swap3A_184, %swap3A_185] {strides = array<i32>} : memref<80x128xf32, #tpu.memory_space<vmem>>, vector<1x16xf32>,
        %swap3A_187 = vector.shape_cast %swap3A_186 : vector<1x16xf32> to vector<16xf32>
        %swap3A_188 = vector.shape_cast %mul3A_183 : vector<16xf32> to vector<1x16xf32>
        tpu.vector_store %arg10[%swap3A_184, %swap3A_185], %swap3A_188 {strides = array<i32>} : memref<80x128xf32, #tpu.memory_space<vmem>>, vector<1x16xf32>,
        %get3A_189 = arith.index_cast %add3A_138 : i32 to index
        %get3A_190 = arith.constant 80 : index
        %get3A_191 = tpu.vector_load %arg10[%get3A_189, %get3A_190] {strides = array<i32>} : memref<80x128xf32, #tpu.memory_space<vmem>>, vector<1x16xf32>,
        %get3A_192 = vector.shape_cast %get3A_191 : vector<1x16xf32> to vector<16xf32>
        %mul3A_193 = arith.mulf %get3A_192, %gather3A_134 : vector<16xf32>
        %swap3A_194 = arith.index_cast %add3A_138 : i32 to index
        %swap3A_195 = arith.constant 80 : index
        %swap3A_196 = tpu.vector_load %arg10[%swap3A_194, %swap3A_195] {strides = array<i32>} : memref<80x128xf32, #tpu.memory_space<vmem>>, vector<1x16xf32>,
        %swap3A_197 = vector.shape_cast %swap3A_196 : vector<1x16xf32> to vector<16xf32>
        %swap3A_198 = vector.shape_cast %mul3A_193 : vector<16xf32> to vector<1x16xf32>
        tpu.vector_store %arg10[%swap3A_194, %swap3A_195], %swap3A_198 {strides = array<i32>} : memref<80x128xf32, #tpu.memory_space<vmem>>, vector<1x16xf32>,
        %get3A_199 = arith.index_cast %add3A_138 : i32 to index
        %get3A_200 = arith.constant 96 : index
        %get3A_201 = tpu.vector_load %arg10[%get3A_199, %get3A_200] {strides = array<i32>} : memref<80x128xf32, #tpu.memory_space<vmem>>, vector<1x16xf32>,
        %get3A_202 = vector.shape_cast %get3A_201 : vector<1x16xf32> to vector<16xf32>
        %mul3A_203 = arith.mulf %get3A_202, %gather3A_134 : vector<16xf32>
        %swap3A_204 = arith.index_cast %add3A_138 : i32 to index
        %swap3A_205 = arith.constant 96 : index
        %swap3A_206 = tpu.vector_load %arg10[%swap3A_204, %swap3A_205] {strides = array<i32>} : memref<80x128xf32, #tpu.memory_space<vmem>>, vector<1x16xf32>,
        %swap3A_207 = vector.shape_cast %swap3A_206 : vector<1x16xf32> to vector<16xf32>
        %swap3A_208 = vector.shape_cast %mul3A_203 : vector<16xf32> to vector<1x16xf32>
        tpu.vector_store %arg10[%swap3A_204, %swap3A_205], %swap3A_208 {strides = array<i32>} : memref<80x128xf32, #tpu.memory_space<vmem>>, vector<1x16xf32>,
        %get3A_209 = arith.index_cast %add3A_138 : i32 to index
        %get3A_210 = arith.constant 112 : index
        %get3A_211 = tpu.vector_load %arg10[%get3A_209, %get3A_210] {strides = array<i32>} : memref<80x128xf32, #tpu.memory_space<vmem>>, vector<1x16xf32>,
        %get3A_212 = vector.shape_cast %get3A_211 : vector<1x16xf32> to vector<16xf32>
        %mul3A_213 = arith.mulf %get3A_212, %gather3A_134 : vector<16xf32>
        %swap3A_214 = arith.index_cast %add3A_138 : i32 to index
        %swap3A_215 = arith.constant 112 : index
        %swap3A_216 = tpu.vector_load %arg10[%swap3A_214, %swap3A_215] {strides = array<i32>} : memref<80x128xf32, #tpu.memory_space<vmem>>, vector<1x16xf32>,
        %swap3A_217 = vector.shape_cast %swap3A_216 : vector<1x16xf32> to vector<16xf32>
        %swap3A_218 = vector.shape_cast %mul3A_213 : vector<16xf32> to vector<1x16xf32>
        tpu.vector_store %arg10[%swap3A_214, %swap3A_215], %swap3A_218 {strides = array<i32>} : memref<80x128xf32, #tpu.memory_space<vmem>>, vector<1x16xf32>,
        %broadcast_in_dim3A_219 = arith.constant 2 : i32
        %broadcast_in_dim3A_220 = vector.broadcast %broadcast_in_dim3A_219 : i32 to vector<16x1xi32>
        %gather3A_221 = vector.shape_cast %broadcast_in_dim3A_220 : vector<16x1xi32> to vector<16xi32>
        %gather3A_222 = tpu.dynamic_gather %get3A_45[%gather3A_221] in [0] : vector<16xf32>, vector<16xi32> -> vector<16xf32>
        %mul3A_223 = arith.constant 16 : i32
        %mul3A_224 = arith.muli %scan3A_41, %mul3A_223 : i32
        %add3A_225 = arith.constant 2 : i32
        %add3A_226 = arith.addi %mul3A_224, %add3A_225 : i32
        %get3A_227 = arith.index_cast %add3A_226 : i32 to index
        %get3A_228 = arith.constant 0 : index
        %get3A_229 = tpu.vector_load %arg10[%get3A_227, %get3A_228] {strides = array<i32>} : memref<80x128xf32, #tpu.memory_space<vmem>>, vector<1x16xf32>,
        %get3A_230 = vector.shape_cast %get3A_229 : vector<1x16xf32> to vector<16xf32>
        %mul3A_231 = arith.mulf %get3A_230, %gather3A_222 : vector<16xf32>
        %swap3A_232 = arith.index_cast %add3A_226 : i32 to index
        %swap3A_233 = arith.constant 0 : index
        %swap3A_234 = tpu.vector_load %arg10[%swap3A_232, %swap3A_233] {strides = array<i32>} : memref<80x128xf32, #tpu.memory_space<vmem>>, vector<1x16xf32>,
        %swap3A_235 = vector.shape_cast %swap3A_234 : vector<1x16xf32> to vector<16xf32>
        %swap3A_236 = vector.shape_cast %mul3A_231 : vector<16xf32> to vector<1x16xf32>
        tpu.vector_store %arg10[%swap3A_232, %swap3A_233], %swap3A_236 {strides = array<i32>} : memref<80x128xf32, #tpu.memory_space<vmem>>, vector<1x16xf32>,
        %get3A_237 = arith.index_cast %add3A_226 : i32 to index
        %get3A_238 = arith.constant 16 : index
        %get3A_239 = tpu.vector_load %arg10[%get3A_237, %get3A_238] {strides = array<i32>} : memref<80x128xf32, #tpu.memory_space<vmem>>, vector<1x16xf32>,
        %get3A_240 = vector.shape_cast %get3A_239 : vector<1x16xf32> to vector<16xf32>
        %mul3A_241 = arith.mulf %get3A_240, %gather3A_222 : vector<16xf32>
        %swap3A_242 = arith.index_cast %add3A_226 : i32 to index
        %swap3A_243 = arith.constant 16 : index
        %swap3A_244 = tpu.vector_load %arg10[%swap3A_242, %swap3A_243] {strides = array<i32>} : memref<80x128xf32, #tpu.memory_space<vmem>>, vector<1x16xf32>,
        %swap3A_245 = vector.shape_cast %swap3A_244 : vector<1x16xf32> to vector<16xf32>
        %swap3A_246 = vector.shape_cast %mul3A_241 : vector<16xf32> to vector<1x16xf32>
        tpu.vector_store %arg10[%swap3A_242, %swap3A_243], %swap3A_246 {strides = array<i32>} : memref<80x128xf32, #tpu.memory_space<vmem>>, vector<1x16xf32>,
        %get3A_247 = arith.index_cast %add3A_226 : i32 to index
        %get3A_248 = arith.constant 32 : index
        %get3A_249 = tpu.vector_load %arg10[%get3A_247, %get3A_248] {strides = array<i32>} : memref<80x128xf32, #tpu.memory_space<vmem>>, vector<1x16xf32>,
        %get3A_250 = vector.shape_cast %get3A_249 : vector<1x16xf32> to vector<16xf32>
        %mul3A_251 = arith.mulf %get3A_250, %gather3A_222 : vector<16xf32>
        %swap3A_252 = arith.index_cast %add3A_226 : i32 to index
        %swap3A_253 = arith.constant 32 : index
        %swap3A_254 = tpu.vector_load %arg10[%swap3A_252, %swap3A_253] {strides = array<i32>} : memref<80x128xf32, #tpu.memory_space<vmem>>, vector<1x16xf32>,
        %swap3A_255 = vector.shape_cast %swap3A_254 : vector<1x16xf32> to vector<16xf32>
        %swap3A_256 = vector.shape_cast %mul3A_251 : vector<16xf32> to vector<1x16xf32>
        tpu.vector_store %arg10[%swap3A_252, %swap3A_253], %swap3A_256 {strides = array<i32>} : memref<80x128xf32, #tpu.memory_space<vmem>>, vector<1x16xf32>,
        %get3A_257 = arith.index_cast %add3A_226 : i32 to index
        %get3A_258 = arith.constant 48 : index
        %get3A_259 = tpu.vector_load %arg10[%get3A_257, %get3A_258] {strides = array<i32>} : memref<80x128xf32, #tpu.memory_space<vmem>>, vector<1x16xf32>,
        %get3A_260 = vector.shape_cast %get3A_259 : vector<1x16xf32> to vector<16xf32>
        %mul3A_261 = arith.mulf %get3A_260, %gather3A_222 : vector<16xf32>
        %swap3A_262 = arith.index_cast %add3A_226 : i32 to index
        %swap3A_263 = arith.constant 48 : index
        %swap3A_264 = tpu.vector_load %arg10[%swap3A_262, %swap3A_263] {strides = array<i32>} : memref<80x128xf32, #tpu.memory_space<vmem>>, vector<1x16xf32>,
        %swap3A_265 = vector.shape_cast %swap3A_264 : vector<1x16xf32> to vector<16xf32>
        %swap3A_266 = vector.shape_cast %mul3A_261 : vector<16xf32> to vector<1x16xf32>
        tpu.vector_store %arg10[%swap3A_262, %swap3A_263], %swap3A_266 {strides = array<i32>} : memref<80x128xf32, #tpu.memory_space<vmem>>, vector<1x16xf32>,
        %get3A_267 = arith.index_cast %add3A_226 : i32 to index
        %get3A_268 = arith.constant 64 : index
        %get3A_269 = tpu.vector_load %arg10[%get3A_267, %get3A_268] {strides = array<i32>} : memref<80x128xf32, #tpu.memory_space<vmem>>, vector<1x16xf32>,
        %get3A_270 = vector.shape_cast %get3A_269 : vector<1x16xf32> to vector<16xf32>
        %mul3A_271 = arith.mulf %get3A_270, %gather3A_222 : vector<16xf32>
        %swap3A_272 = arith.index_cast %add3A_226 : i32 to index
        %swap3A_273 = arith.constant 64 : index
        %swap3A_274 = tpu.vector_load %arg10[%swap3A_272, %swap3A_273] {strides = array<i32>} : memref<80x128xf32, #tpu.memory_space<vmem>>, vector<1x16xf32>,
        %swap3A_275 = vector.shape_cast %swap3A_274 : vector<1x16xf32> to vector<16xf32>
        %swap3A_276 = vector.shape_cast %mul3A_271 : vector<16xf32> to vector<1x16xf32>
        tpu.vector_store %arg10[%swap3A_272, %swap3A_273], %swap3A_276 {strides = array<i32>} : memref<80x128xf32, #tpu.memory_space<vmem>>, vector<1x16xf32>,
        %get3A_277 = arith.index_cast %add3A_226 : i32 to index
        %get3A_278 = arith.constant 80 : index
        %get3A_279 = tpu.vector_load %arg10[%get3A_277, %get3A_278] {strides = array<i32>} : memref<80x128xf32, #tpu.memory_space<vmem>>, vector<1x16xf32>,
        %get3A_280 = vector.shape_cast %get3A_279 : vector<1x16xf32> to vector<16xf32>
        %mul3A_281 = arith.mulf %get3A_280, %gather3A_222 : vector<16xf32>
        %swap3A_282 = arith.index_cast %add3A_226 : i32 to index
        %swap3A_283 = arith.constant 80 : index
        %swap3A_284 = tpu.vector_load %arg10[%swap3A_282, %swap3A_283] {strides = array<i32>} : memref<80x128xf32, #tpu.memory_space<vmem>>, vector<1x16xf32>,
        %swap3A_285 = vector.shape_cast %swap3A_284 : vector<1x16xf32> to vector<16xf32>
        %swap3A_286 = vector.shape_cast %mul3A_281 : vector<16xf32> to vector<1x16xf32>
        tpu.vector_store %arg10[%swap3A_282, %swap3A_283], %swap3A_286 {strides = array<i32>} : memref<80x128xf32, #tpu.memory_space<vmem>>, vector<1x16xf32>,
        %get3A_287 = arith.index_cast %add3A_226 : i32 to index
        %get3A_288 = arith.constant 96 : index
        %get3A_289 = tpu.vector_load %arg10[%get3A_287, %get3A_288] {strides = array<i32>} : memref<80x128xf32, #tpu.memory_space<vmem>>, vector<1x16xf32>,
        %get3A_290 = vector.shape_cast %get3A_289 : vector<1x16xf32> to vector<16xf32>
        %mul3A_291 = arith.mulf %get3A_290, %gather3A_222 : vector<16xf32>
        %swap3A_292 = arith.index_cast %add3A_226 : i32 to index
        %swap3A_293 = arith.constant 96 : index
        %swap3A_294 = tpu.vector_load %arg10[%swap3A_292, %swap3A_293] {strides = array<i32>} : memref<80x128xf32, #tpu.memory_space<vmem>>, vector<1x16xf32>,
        %swap3A_295 = vector.shape_cast %swap3A_294 : vector<1x16xf32> to vector<16xf32>
        %swap3A_296 = vector.shape_cast %mul3A_291 : vector<16xf32> to vector<1x16xf32>
        tpu.vector_store %arg10[%swap3A_292, %swap3A_293], %swap3A_296 {strides = array<i32>} : memref<80x128xf32, #tpu.memory_space<vmem>>, vector<1x16xf32>,
        %get3A_297 = arith.index_cast %add3A_226 : i32 to index
        %get3A_298 = arith.constant 112 : index
        %get3A_299 = tpu.vector_load %arg10[%get3A_297, %get3A_298] {strides = array<i32>} : memref<80x128xf32, #tpu.memory_space<vmem>>, vector<1x16xf32>,
        %get3A_300 = vector.shape_cast %get3A_299 : vector<1x16xf32> to vector<16xf32>
        %mul3A_301 = arith.mulf %get3A_300, %gather3A_222 : vector<16xf32>
        %swap3A_302 = arith.index_cast %add3A_226 : i32 to index
        %swap3A_303 = arith.constant 112 : index
        %swap3A_304 = tpu.vector_load %arg10[%swap3A_302, %swap3A_303] {strides = array<i32>} : memref<80x128xf32, #tpu.memory_space<vmem>>, vector<1x16xf32>,
        %swap3A_305 = vector.shape_cast %swap3A_304 : vector<1x16xf32> to vector<16xf32>
        %swap3A_306 = vector.shape_cast %mul3A_301 : vector<16xf32> to vector<1x16xf32>
        tpu.vector_store %arg10[%swap3A_302, %swap3A_303], %swap3A_306 {strides = array<i32>} : memref<80x128xf32, #tpu.memory_space<vmem>>, vector<1x16xf32>,
        %broadcast_in_dim3A_307 = arith.constant 3 : i32
        %broadcast_in_dim3A_308 = vector.broadcast %broadcast_in_dim3A_307 : i32 to vector<16x1xi32>
        %gather3A_309 = vector.shape_cast %broadcast_in_dim3A_308 : vector<16x1xi32> to vector<16xi32>
        %gather3A_310 = tpu.dynamic_gather %get3A_45[%gather3A_309] in [0] : vector<16xf32>, vector<16xi32> -> vector<16xf32>
        %mul3A_311 = arith.constant 16 : i32
        %mul3A_312 = arith.muli %scan3A_41, %mul3A_311 : i32
        %add3A_313 = arith.constant 3 : i32
        %add3A_314 = arith.addi %mul3A_312, %add3A_313 : i32
        %get3A_315 = arith.index_cast %add3A_314 : i32 to index
        %get3A_316 = arith.constant 0 : index
        %get3A_317 = tpu.vector_load %arg10[%get3A_315, %get3A_316] {strides = array<i32>} : memref<80x128xf32, #tpu.memory_space<vmem>>, vector<1x16xf32>,
        %get3A_318 = vector.shape_cast %get3A_317 : vector<1x16xf32> to vector<16xf32>
        %mul3A_319 = arith.mulf %get3A_318, %gather3A_310 : vector<16xf32>
        %swap3A_320 = arith.index_cast %add3A_314 : i32 to index
        %swap3A_321 = arith.constant 0 : index
        %swap3A_322 = tpu.vector_load %arg10[%swap3A_320, %swap3A_321] {strides = array<i32>} : memref<80x128xf32, #tpu.memory_space<vmem>>, vector<1x16xf32>,
        %swap3A_323 = vector.shape_cast %swap3A_322 : vector<1x16xf32> to vector<16xf32>
        %swap3A_324 = vector.shape_cast %mul3A_319 : vector<16xf32> to vector<1x16xf32>
        tpu.vector_store %arg10[%swap3A_320, %swap3A_321], %swap3A_324 {strides = array<i32>} : memref<80x128xf32, #tpu.memory_space<vmem>>, vector<1x16xf32>,
        %get3A_325 = arith.index_cast %add3A_314 : i32 to index
        %get3A_326 = arith.constant 16 : index
        %get3A_327 = tpu.vector_load %arg10[%get3A_325, %get3A_326] {strides = array<i32>} : memref<80x128xf32, #tpu.memory_space<vmem>>, vector<1x16xf32>,
        %get3A_328 = vector.shape_cast %get3A_327 : vector<1x16xf32> to vector<16xf32>
        %mul3A_329 = arith.mulf %get3A_328, %gather3A_310 : vector<16xf32>
        %swap3A_330 = arith.index_cast %add3A_314 : i32 to index
        %swap3A_331 = arith.constant 16 : index
        %swap3A_332 = tpu.vector_load %arg10[%swap3A_330, %swap3A_331] {strides = array<i32>} : memref<80x128xf32, #tpu.memory_space<vmem>>, vector<1x16xf32>,
        %swap3A_333 = vector.shape_cast %swap3A_332 : vector<1x16xf32> to vector<16xf32>
        %swap3A_334 = vector.shape_cast %mul3A_329 : vector<16xf32> to vector<1x16xf32>
        tpu.vector_store %arg10[%swap3A_330, %swap3A_331], %swap3A_334 {strides = array<i32>} : memref<80x128xf32, #tpu.memory_space<vmem>>, vector<1x16xf32>,
        %get3A_335 = arith.index_cast %add3A_314 : i32 to index
        %get3A_336 = arith.constant 32 : index
        %get3A_337 = tpu.vector_load %arg10[%get3A_335, %get3A_336] {strides = array<i32>} : memref<80x128xf32, #tpu.memory_space<vmem>>, vector<1x16xf32>,
        %get3A_338 = vector.shape_cast %get3A_337 : vector<1x16xf32> to vector<16xf32>
        %mul3A_339 = arith.mulf %get3A_338, %gather3A_310 : vector<16xf32>
        %swap3A_340 = arith.index_cast %add3A_314 : i32 to index
        %swap3A_341 = arith.constant 32 : index
        %swap3A_342 = tpu.vector_load %arg10[%swap3A_340, %swap3A_341] {strides = array<i32>} : memref<80x128xf32, #tpu.memory_space<vmem>>, vector<1x16xf32>,
        %swap3A_343 = vector.shape_cast %swap3A_342 : vector<1x16xf32> to vector<16xf32>
        %swap3A_344 = vector.shape_cast %mul3A_339 : vector<16xf32> to vector<1x16xf32>
        tpu.vector_store %arg10[%swap3A_340, %swap3A_341], %swap3A_344 {strides = array<i32>} : memref<80x128xf32, #tpu.memory_space<vmem>>, vector<1x16xf32>,
        %get3A_345 = arith.index_cast %add3A_314 : i32 to index
        %get3A_346 = arith.constant 48 : index
        %get3A_347 = tpu.vector_load %arg10[%get3A_345, %get3A_346] {strides = array<i32>} : memref<80x128xf32, #tpu.memory_space<vmem>>, vector<1x16xf32>,
        %get3A_348 = vector.shape_cast %get3A_347 : vector<1x16xf32> to vector<16xf32>
        %mul3A_349 = arith.mulf %get3A_348, %gather3A_310 : vector<16xf32>
        %swap3A_350 = arith.index_cast %add3A_314 : i32 to index
        %swap3A_351 = arith.constant 48 : index
        %swap3A_352 = tpu.vector_load %arg10[%swap3A_350, %swap3A_351] {strides = array<i32>} : memref<80x128xf32, #tpu.memory_space<vmem>>, vector<1x16xf32>,
        %swap3A_353 = vector.shape_cast %swap3A_352 : vector<1x16xf32> to vector<16xf32>
        %swap3A_354 = vector.shape_cast %mul3A_349 : vector<16xf32> to vector<1x16xf32>
        tpu.vector_store %arg10[%swap3A_350, %swap3A_351], %swap3A_354 {strides = array<i32>} : memref<80x128xf32, #tpu.memory_space<vmem>>, vector<1x16xf32>,
        %get3A_355 = arith.index_cast %add3A_314 : i32 to index
        %get3A_356 = arith.constant 64 : index
        %get3A_357 = tpu.vector_load %arg10[%get3A_355, %get3A_356] {strides = array<i32>} : memref<80x128xf32, #tpu.memory_space<vmem>>, vector<1x16xf32>,
        %get3A_358 = vector.shape_cast %get3A_357 : vector<1x16xf32> to vector<16xf32>
        %mul3A_359 = arith.mulf %get3A_358, %gather3A_310 : vector<16xf32>
        %swap3A_360 = arith.index_cast %add3A_314 : i32 to index
        %swap3A_361 = arith.constant 64 : index
        %swap3A_362 = tpu.vector_load %arg10[%swap3A_360, %swap3A_361] {strides = array<i32>} : memref<80x128xf32, #tpu.memory_space<vmem>>, vector<1x16xf32>,
        %swap3A_363 = vector.shape_cast %swap3A_362 : vector<1x16xf32> to vector<16xf32>
        %swap3A_364 = vector.shape_cast %mul3A_359 : vector<16xf32> to vector<1x16xf32>
        tpu.vector_store %arg10[%swap3A_360, %swap3A_361], %swap3A_364 {strides = array<i32>} : memref<80x128xf32, #tpu.memory_space<vmem>>, vector<1x16xf32>,
        %get3A_365 = arith.index_cast %add3A_314 : i32 to index
        %get3A_366 = arith.constant 80 : index
        %get3A_367 = tpu.vector_load %arg10[%get3A_365, %get3A_366] {strides = array<i32>} : memref<80x128xf32, #tpu.memory_space<vmem>>, vector<1x16xf32>,
        %get3A_368 = vector.shape_cast %get3A_367 : vector<1x16xf32> to vector<16xf32>
        %mul3A_369 = arith.mulf %get3A_368, %gather3A_310 : vector<16xf32>
        %swap3A_370 = arith.index_cast %add3A_314 : i32 to index
        %swap3A_371 = arith.constant 80 : index
        %swap3A_372 = tpu.vector_load %arg10[%swap3A_370, %swap3A_371] {strides = array<i32>} : memref<80x128xf32, #tpu.memory_space<vmem>>, vector<1x16xf32>,
        %swap3A_373 = vector.shape_cast %swap3A_372 : vector<1x16xf32> to vector<16xf32>
        %swap3A_374 = vector.shape_cast %mul3A_369 : vector<16xf32> to vector<1x16xf32>
        tpu.vector_store %arg10[%swap3A_370, %swap3A_371], %swap3A_374 {strides = array<i32>} : memref<80x128xf32, #tpu.memory_space<vmem>>, vector<1x16xf32>,
        %get3A_375 = arith.index_cast %add3A_314 : i32 to index
        %get3A_376 = arith.constant 96 : index
        %get3A_377 = tpu.vector_load %arg10[%get3A_375, %get3A_376] {strides = array<i32>} : memref<80x128xf32, #tpu.memory_space<vmem>>, vector<1x16xf32>,
        %get3A_378 = vector.shape_cast %get3A_377 : vector<1x16xf32> to vector<16xf32>
        %mul3A_379 = arith.mulf %get3A_378, %gather3A_310 : vector<16xf32>
        %swap3A_380 = arith.index_cast %add3A_314 : i32 to index
        %swap3A_381 = arith.constant 96 : index
        %swap3A_382 = tpu.vector_load %arg10[%swap3A_380, %swap3A_381] {strides = array<i32>} : memref<80x128xf32, #tpu.memory_space<vmem>>, vector<1x16xf32>,
        %swap3A_383 = vector.shape_cast %swap3A_382 : vector<1x16xf32> to vector<16xf32>
        %swap3A_384 = vector.shape_cast %mul3A_379 : vector<16xf32> to vector<1x16xf32>
        tpu.vector_store %arg10[%swap3A_380, %swap3A_381], %swap3A_384 {strides = array<i32>} : memref<80x128xf32, #tpu.memory_space<vmem>>, vector<1x16xf32>,
        %get3A_385 = arith.index_cast %add3A_314 : i32 to index
        %get3A_386 = arith.constant 112 : index
        %get3A_387 = tpu.vector_load %arg10[%get3A_385, %get3A_386] {strides = array<i32>} : memref<80x128xf32, #tpu.memory_space<vmem>>, vector<1x16xf32>,
        %get3A_388 = vector.shape_cast %get3A_387 : vector<1x16xf32> to vector<16xf32>
        %mul3A_389 = arith.mulf %get3A_388, %gather3A_310 : vector<16xf32>
        %swap3A_390 = arith.index_cast %add3A_314 : i32 to index
        %swap3A_391 = arith.constant 112 : index
        %swap3A_392 = tpu.vector_load %arg10[%swap3A_390, %swap3A_391] {strides = array<i32>} : memref<80x128xf32, #tpu.memory_space<vmem>>, vector<1x16xf32>,
        %swap3A_393 = vector.shape_cast %swap3A_392 : vector<1x16xf32> to vector<16xf32>
        %swap3A_394 = vector.shape_cast %mul3A_389 : vector<16xf32> to vector<1x16xf32>
        tpu.vector_store %arg10[%swap3A_390, %swap3A_391], %swap3A_394 {strides = array<i32>} : memref<80x128xf32, #tpu.memory_space<vmem>>, vector<1x16xf32>,
        %broadcast_in_dim3A_395 = arith.constant 4 : i32
        %broadcast_in_dim3A_396 = vector.broadcast %broadcast_in_dim3A_395 : i32 to vector<16x1xi32>
        %gather3A_397 = vector.shape_cast %broadcast_in_dim3A_396 : vector<16x1xi32> to vector<16xi32>
        %gather3A_398 = tpu.dynamic_gather %get3A_45[%gather3A_397] in [0] : vector<16xf32>, vector<16xi32> -> vector<16xf32>
        %mul3A_399 = arith.constant 16 : i32
        %mul3A_400 = arith.muli %scan3A_41, %mul3A_399 : i32
        %add3A_401 = arith.constant 4 : i32
        %add3A_402 = arith.addi %mul3A_400, %add3A_401 : i32
        %get3A_403 = arith.index_cast %add3A_402 : i32 to index
        %get3A_404 = arith.constant 0 : index
        %get3A_405 = tpu.vector_load %arg10[%get3A_403, %get3A_404] {strides = array<i32>} : memref<80x128xf32, #tpu.memory_space<vmem>>, vector<1x16xf32>,
        %get3A_406 = vector.shape_cast %get3A_405 : vector<1x16xf32> to vector<16xf32>
        %mul3A_407 = arith.mulf %get3A_406, %gather3A_398 : vector<16xf32>
        %swap3A_408 = arith.index_cast %add3A_402 : i32 to index
        %swap3A_409 = arith.constant 0 : index
        %swap3A_410 = tpu.vector_load %arg10[%swap3A_408, %swap3A_409] {strides = array<i32>} : memref<80x128xf32, #tpu.memory_space<vmem>>, vector<1x16xf32>,
        %swap3A_411 = vector.shape_cast %swap3A_410 : vector<1x16xf32> to vector<16xf32>
        %swap3A_412 = vector.shape_cast %mul3A_407 : vector<16xf32> to vector<1x16xf32>
        tpu.vector_store %arg10[%swap3A_408, %swap3A_409], %swap3A_412 {strides = array<i32>} : memref<80x128xf32, #tpu.memory_space<vmem>>, vector<1x16xf32>,
        %get3A_413 = arith.index_cast %add3A_402 : i32 to index
        %get3A_414 = arith.constant 16 : index
        %get3A_415 = tpu.vector_load %arg10[%get3A_413, %get3A_414] {strides = array<i32>} : memref<80x128xf32, #tpu.memory_space<vmem>>, vector<1x16xf32>,
        %get3A_416 = vector.shape_cast %get3A_415 : vector<1x16xf32> to vector<16xf32>
        %mul3A_417 = arith.mulf %get3A_416, %gather3A_398 : vector<16xf32>
        %swap3A_418 = arith.index_cast %add3A_402 : i32 to index
        %swap3A_419 = arith.constant 16 : index
        %swap3A_420 = tpu.vector_load %arg10[%swap3A_418, %swap3A_419] {strides = array<i32>} : memref<80x128xf32, #tpu.memory_space<vmem>>, vector<1x16xf32>,
        %swap3A_421 = vector.shape_cast %swap3A_420 : vector<1x16xf32> to vector<16xf32>
        %swap3A_422 = vector.shape_cast %mul3A_417 : vector<16xf32> to vector<1x16xf32>
        tpu.vector_store %arg10[%swap3A_418, %swap3A_419], %swap3A_422 {strides = array<i32>} : memref<80x128xf32, #tpu.memory_space<vmem>>, vector<1x16xf32>,
        %get3A_423 = arith.index_cast %add3A_402 : i32 to index
        %get3A_424 = arith.constant 32 : index
        %get3A_425 = tpu.vector_load %arg10[%get3A_423, %get3A_424] {strides = array<i32>} : memref<80x128xf32, #tpu.memory_space<vmem>>, vector<1x16xf32>,
        %get3A_426 = vector.shape_cast %get3A_425 : vector<1x16xf32> to vector<16xf32>
        %mul3A_427 = arith.mulf %get3A_426, %gather3A_398 : vector<16xf32>
        %swap3A_428 = arith.index_cast %add3A_402 : i32 to index
        %swap3A_429 = arith.constant 32 : index
        %swap3A_430 = tpu.vector_load %arg10[%swap3A_428, %swap3A_429] {strides = array<i32>} : memref<80x128xf32, #tpu.memory_space<vmem>>, vector<1x16xf32>,
        %swap3A_431 = vector.shape_cast %swap3A_430 : vector<1x16xf32> to vector<16xf32>
        %swap3A_432 = vector.shape_cast %mul3A_427 : vector<16xf32> to vector<1x16xf32>
        tpu.vector_store %arg10[%swap3A_428, %swap3A_429], %swap3A_432 {strides = array<i32>} : memref<80x128xf32, #tpu.memory_space<vmem>>, vector<1x16xf32>,
        %get3A_433 = arith.index_cast %add3A_402 : i32 to index
        %get3A_434 = arith.constant 48 : index
        %get3A_435 = tpu.vector_load %arg10[%get3A_433, %get3A_434] {strides = array<i32>} : memref<80x128xf32, #tpu.memory_space<vmem>>, vector<1x16xf32>,
        %get3A_436 = vector.shape_cast %get3A_435 : vector<1x16xf32> to vector<16xf32>
        %mul3A_437 = arith.mulf %get3A_436, %gather3A_398 : vector<16xf32>
        %swap3A_438 = arith.index_cast %add3A_402 : i32 to index
        %swap3A_439 = arith.constant 48 : index
        %swap3A_440 = tpu.vector_load %arg10[%swap3A_438, %swap3A_439] {strides = array<i32>} : memref<80x128xf32, #tpu.memory_space<vmem>>, vector<1x16xf32>,
        %swap3A_441 = vector.shape_cast %swap3A_440 : vector<1x16xf32> to vector<16xf32>
        %swap3A_442 = vector.shape_cast %mul3A_437 : vector<16xf32> to vector<1x16xf32>
        tpu.vector_store %arg10[%swap3A_438, %swap3A_439], %swap3A_442 {strides = array<i32>} : memref<80x128xf32, #tpu.memory_space<vmem>>, vector<1x16xf32>,
        %get3A_443 = arith.index_cast %add3A_402 : i32 to index
        %get3A_444 = arith.constant 64 : index
        %get3A_445 = tpu.vector_load %arg10[%get3A_443, %get3A_444] {strides = array<i32>} : memref<80x128xf32, #tpu.memory_space<vmem>>, vector<1x16xf32>,
        %get3A_446 = vector.shape_cast %get3A_445 : vector<1x16xf32> to vector<16xf32>
        %mul3A_447 = arith.mulf %get3A_446, %gather3A_398 : vector<16xf32>
        %swap3A_448 = arith.index_cast %add3A_402 : i32 to index
        %swap3A_449 = arith.constant 64 : index
        %swap3A_450 = tpu.vector_load %arg10[%swap3A_448, %swap3A_449] {strides = array<i32>} : memref<80x128xf32, #tpu.memory_space<vmem>>, vector<1x16xf32>,
        %swap3A_451 = vector.shape_cast %swap3A_450 : vector<1x16xf32> to vector<16xf32>
        %swap3A_452 = vector.shape_cast %mul3A_447 : vector<16xf32> to vector<1x16xf32>
        tpu.vector_store %arg10[%swap3A_448, %swap3A_449], %swap3A_452 {strides = array<i32>} : memref<80x128xf32, #tpu.memory_space<vmem>>, vector<1x16xf32>,
        %get3A_453 = arith.index_cast %add3A_402 : i32 to index
        %get3A_454 = arith.constant 80 : index
        %get3A_455 = tpu.vector_load %arg10[%get3A_453, %get3A_454] {strides = array<i32>} : memref<80x128xf32, #tpu.memory_space<vmem>>, vector<1x16xf32>,
        %get3A_456 = vector.shape_cast %get3A_455 : vector<1x16xf32> to vector<16xf32>
        %mul3A_457 = arith.mulf %get3A_456, %gather3A_398 : vector<16xf32>
        %swap3A_458 = arith.index_cast %add3A_402 : i32 to index
        %swap3A_459 = arith.constant 80 : index
        %swap3A_460 = tpu.vector_load %arg10[%swap3A_458, %swap3A_459] {strides = array<i32>} : memref<80x128xf32, #tpu.memory_space<vmem>>, vector<1x16xf32>,
        %swap3A_461 = vector.shape_cast %swap3A_460 : vector<1x16xf32> to vector<16xf32>
        %swap3A_462 = vector.shape_cast %mul3A_457 : vector<16xf32> to vector<1x16xf32>
        tpu.vector_store %arg10[%swap3A_458, %swap3A_459], %swap3A_462 {strides = array<i32>} : memref<80x128xf32, #tpu.memory_space<vmem>>, vector<1x16xf32>,
        %get3A_463 = arith.index_cast %add3A_402 : i32 to index
        %get3A_464 = arith.constant 96 : index
        %get3A_465 = tpu.vector_load %arg10[%get3A_463, %get3A_464] {strides = array<i32>} : memref<80x128xf32, #tpu.memory_space<vmem>>, vector<1x16xf32>,
        %get3A_466 = vector.shape_cast %get3A_465 : vector<1x16xf32> to vector<16xf32>
        %mul3A_467 = arith.mulf %get3A_466, %gather3A_398 : vector<16xf32>
        %swap3A_468 = arith.index_cast %add3A_402 : i32 to index
        %swap3A_469 = arith.constant 96 : index
        %swap3A_470 = tpu.vector_load %arg10[%swap3A_468, %swap3A_469] {strides = array<i32>} : memref<80x128xf32, #tpu.memory_space<vmem>>, vector<1x16xf32>,
        %swap3A_471 = vector.shape_cast %swap3A_470 : vector<1x16xf32> to vector<16xf32>
        %swap3A_472 = vector.shape_cast %mul3A_467 : vector<16xf32> to vector<1x16xf32>
        tpu.vector_store %arg10[%swap3A_468, %swap3A_469], %swap3A_472 {strides = array<i32>} : memref<80x128xf32, #tpu.memory_space<vmem>>, vector<1x16xf32>,
        %get3A_473 = arith.index_cast %add3A_402 : i32 to index
        %get3A_474 = arith.constant 112 : index
        %get3A_475 = tpu.vector_load %arg10[%get3A_473, %get3A_474] {strides = array<i32>} : memref<80x128xf32, #tpu.memory_space<vmem>>, vector<1x16xf32>,
        %get3A_476 = vector.shape_cast %get3A_475 : vector<1x16xf32> to vector<16xf32>
        %mul3A_477 = arith.mulf %get3A_476, %gather3A_398 : vector<16xf32>
        %swap3A_478 = arith.index_cast %add3A_402 : i32 to index
        %swap3A_479 = arith.constant 112 : index
        %swap3A_480 = tpu.vector_load %arg10[%swap3A_478, %swap3A_479] {strides = array<i32>} : memref<80x128xf32, #tpu.memory_space<vmem>>, vector<1x16xf32>,
        %swap3A_481 = vector.shape_cast %swap3A_480 : vector<1x16xf32> to vector<16xf32>
        %swap3A_482 = vector.shape_cast %mul3A_477 : vector<16xf32> to vector<1x16xf32>
        tpu.vector_store %arg10[%swap3A_478, %swap3A_479], %swap3A_482 {strides = array<i32>} : memref<80x128xf32, #tpu.memory_space<vmem>>, vector<1x16xf32>,
        %broadcast_in_dim3A_483 = arith.constant 5 : i32
        %broadcast_in_dim3A_484 = vector.broadcast %broadcast_in_dim3A_483 : i32 to vector<16x1xi32>
        %gather3A_485 = vector.shape_cast %broadcast_in_dim3A_484 : vector<16x1xi32> to vector<16xi32>
        %gather3A_486 = tpu.dynamic_gather %get3A_45[%gather3A_485] in [0] : vector<16xf32>, vector<16xi32> -> vector<16xf32>
        %mul3A_487 = arith.constant 16 : i32
        %mul3A_488 = arith.muli %scan3A_41, %mul3A_487 : i32
        %add3A_489 = arith.constant 5 : i32
        %add3A_490 = arith.addi %mul3A_488, %add3A_489 : i32
        %get3A_491 = arith.index_cast %add3A_490 : i32 to index
        %get3A_492 = arith.constant 0 : index
        %get3A_493 = tpu.vector_load %arg10[%get3A_491, %get3A_492] {strides = array<i32>} : memref<80x128xf32, #tpu.memory_space<vmem>>, vector<1x16xf32>,
        %get3A_494 = vector.shape_cast %get3A_493 : vector<1x16xf32> to vector<16xf32>
        %mul3A_495 = arith.mulf %get3A_494, %gather3A_486 : vector<16xf32>
        %swap3A_496 = arith.index_cast %add3A_490 : i32 to index
        %swap3A_497 = arith.constant 0 : index
        %swap3A_498 = tpu.vector_load %arg10[%swap3A_496, %swap3A_497] {strides = array<i32>} : memref<80x128xf32, #tpu.memory_space<vmem>>, vector<1x16xf32>,
        %swap3A_499 = vector.shape_cast %swap3A_498 : vector<1x16xf32> to vector<16xf32>
        %swap3A_500 = vector.shape_cast %mul3A_495 : vector<16xf32> to vector<1x16xf32>
        tpu.vector_store %arg10[%swap3A_496, %swap3A_497], %swap3A_500 {strides = array<i32>} : memref<80x128xf32, #tpu.memory_space<vmem>>, vector<1x16xf32>,
        %get3A_501 = arith.index_cast %add3A_490 : i32 to index
        %get3A_502 = arith.constant 16 : index
        %get3A_503 = tpu.vector_load %arg10[%get3A_501, %get3A_502] {strides = array<i32>} : memref<80x128xf32, #tpu.memory_space<vmem>>, vector<1x16xf32>,
        %get3A_504 = vector.shape_cast %get3A_503 : vector<1x16xf32> to vector<16xf32>
        %mul3A_505 = arith.mulf %get3A_504, %gather3A_486 : vector<16xf32>
        %swap3A_506 = arith.index_cast %add3A_490 : i32 to index
        %swap3A_507 = arith.constant 16 : index
        %swap3A_508 = tpu.vector_load %arg10[%swap3A_506, %swap3A_507] {strides = array<i32>} : memref<80x128xf32, #tpu.memory_space<vmem>>, vector<1x16xf32>,
        %swap3A_509 = vector.shape_cast %swap3A_508 : vector<1x16xf32> to vector<16xf32>
        %swap3A_510 = vector.shape_cast %mul3A_505 : vector<16xf32> to vector<1x16xf32>
        tpu.vector_store %arg10[%swap3A_506, %swap3A_507], %swap3A_510 {strides = array<i32>} : memref<80x128xf32, #tpu.memory_space<vmem>>, vector<1x16xf32>,
        %get3A_511 = arith.index_cast %add3A_490 : i32 to index
        %get3A_512 = arith.constant 32 : index
        %get3A_513 = tpu.vector_load %arg10[%get3A_511, %get3A_512] {strides = array<i32>} : memref<80x128xf32, #tpu.memory_space<vmem>>, vector<1x16xf32>,
        %get3A_514 = vector.shape_cast %get3A_513 : vector<1x16xf32> to vector<16xf32>
        %mul3A_515 = arith.mulf %get3A_514, %gather3A_486 : vector<16xf32>
        %swap3A_516 = arith.index_cast %add3A_490 : i32 to index
        %swap3A_517 = arith.constant 32 : index
        %swap3A_518 = tpu.vector_load %arg10[%swap3A_516, %swap3A_517] {strides = array<i32>} : memref<80x128xf32, #tpu.memory_space<vmem>>, vector<1x16xf32>,
        %swap3A_519 = vector.shape_cast %swap3A_518 : vector<1x16xf32> to vector<16xf32>
        %swap3A_520 = vector.shape_cast %mul3A_515 : vector<16xf32> to vector<1x16xf32>
        tpu.vector_store %arg10[%swap3A_516, %swap3A_517], %swap3A_520 {strides = array<i32>} : memref<80x128xf32, #tpu.memory_space<vmem>>, vector<1x16xf32>,
        %get3A_521 = arith.index_cast %add3A_490 : i32 to index
        %get3A_522 = arith.constant 48 : index
        %get3A_523 = tpu.vector_load %arg10[%get3A_521, %get3A_522] {strides = array<i32>} : memref<80x128xf32, #tpu.memory_space<vmem>>, vector<1x16xf32>,
        %get3A_524 = vector.shape_cast %get3A_523 : vector<1x16xf32> to vector<16xf32>
        %mul3A_525 = arith.mulf %get3A_524, %gather3A_486 : vector<16xf32>
        %swap3A_526 = arith.index_cast %add3A_490 : i32 to index
        %swap3A_527 = arith.constant 48 : index
        %swap3A_528 = tpu.vector_load %arg10[%swap3A_526, %swap3A_527] {strides = array<i32>} : memref<80x128xf32, #tpu.memory_space<vmem>>, vector<1x16xf32>,
        %swap3A_529 = vector.shape_cast %swap3A_528 : vector<1x16xf32> to vector<16xf32>
        %swap3A_530 = vector.shape_cast %mul3A_525 : vector<16xf32> to vector<1x16xf32>
        tpu.vector_store %arg10[%swap3A_526, %swap3A_527], %swap3A_530 {strides = array<i32>} : memref<80x128xf32, #tpu.memory_space<vmem>>, vector<1x16xf32>,
        %get3A_531 = arith.index_cast %add3A_490 : i32 to index
        %get3A_532 = arith.constant 64 : index
        %get3A_533 = tpu.vector_load %arg10[%get3A_531, %get3A_532] {strides = array<i32>} : memref<80x128xf32, #tpu.memory_space<vmem>>, vector<1x16xf32>,
        %get3A_534 = vector.shape_cast %get3A_533 : vector<1x16xf32> to vector<16xf32>
        %mul3A_535 = arith.mulf %get3A_534, %gather3A_486 : vector<16xf32>
        %swap3A_536 = arith.index_cast %add3A_490 : i32 to index
        %swap3A_537 = arith.constant 64 : index
        %swap3A_538 = tpu.vector_load %arg10[%swap3A_536, %swap3A_537] {strides = array<i32>} : memref<80x128xf32, #tpu.memory_space<vmem>>, vector<1x16xf32>,
        %swap3A_539 = vector.shape_cast %swap3A_538 : vector<1x16xf32> to vector<16xf32>
        %swap3A_540 = vector.shape_cast %mul3A_535 : vector<16xf32> to vector<1x16xf32>
        tpu.vector_store %arg10[%swap3A_536, %swap3A_537], %swap3A_540 {strides = array<i32>} : memref<80x128xf32, #tpu.memory_space<vmem>>, vector<1x16xf32>,
        %get3A_541 = arith.index_cast %add3A_490 : i32 to index
        %get3A_542 = arith.constant 80 : index
        %get3A_543 = tpu.vector_load %arg10[%get3A_541, %get3A_542] {strides = array<i32>} : memref<80x128xf32, #tpu.memory_space<vmem>>, vector<1x16xf32>,
        %get3A_544 = vector.shape_cast %get3A_543 : vector<1x16xf32> to vector<16xf32>
        %mul3A_545 = arith.mulf %get3A_544, %gather3A_486 : vector<16xf32>
        %swap3A_546 = arith.index_cast %add3A_490 : i32 to index
        %swap3A_547 = arith.constant 80 : index
        %swap3A_548 = tpu.vector_load %arg10[%swap3A_546, %swap3A_547] {strides = array<i32>} : memref<80x128xf32, #tpu.memory_space<vmem>>, vector<1x16xf32>,
        %swap3A_549 = vector.shape_cast %swap3A_548 : vector<1x16xf32> to vector<16xf32>
        %swap3A_550 = vector.shape_cast %mul3A_545 : vector<16xf32> to vector<1x16xf32>
        tpu.vector_store %arg10[%swap3A_546, %swap3A_547], %swap3A_550 {strides = array<i32>} : memref<80x128xf32, #tpu.memory_space<vmem>>, vector<1x16xf32>,
        %get3A_551 = arith.index_cast %add3A_490 : i32 to index
        %get3A_552 = arith.constant 96 : index
        %get3A_553 = tpu.vector_load %arg10[%get3A_551, %get3A_552] {strides = array<i32>} : memref<80x128xf32, #tpu.memory_space<vmem>>, vector<1x16xf32>,
        %get3A_554 = vector.shape_cast %get3A_553 : vector<1x16xf32> to vector<16xf32>
        %mul3A_555 = arith.mulf %get3A_554, %gather3A_486 : vector<16xf32>
        %swap3A_556 = arith.index_cast %add3A_490 : i32 to index
        %swap3A_557 = arith.constant 96 : index
        %swap3A_558 = tpu.vector_load %arg10[%swap3A_556, %swap3A_557] {strides = array<i32>} : memref<80x128xf32, #tpu.memory_space<vmem>>, vector<1x16xf32>,
        %swap3A_559 = vector.shape_cast %swap3A_558 : vector<1x16xf32> to vector<16xf32>
        %swap3A_560 = vector.shape_cast %mul3A_555 : vector<16xf32> to vector<1x16xf32>
        tpu.vector_store %arg10[%swap3A_556, %swap3A_557], %swap3A_560 {strides = array<i32>} : memref<80x128xf32, #tpu.memory_space<vmem>>, vector<1x16xf32>,
        %get3A_561 = arith.index_cast %add3A_490 : i32 to index
        %get3A_562 = arith.constant 112 : index
        %get3A_563 = tpu.vector_load %arg10[%get3A_561, %get3A_562] {strides = array<i32>} : memref<80x128xf32, #tpu.memory_space<vmem>>, vector<1x16xf32>,
        %get3A_564 = vector.shape_cast %get3A_563 : vector<1x16xf32> to vector<16xf32>
        %mul3A_565 = arith.mulf %get3A_564, %gather3A_486 : vector<16xf32>
        %swap3A_566 = arith.index_cast %add3A_490 : i32 to index
        %swap3A_567 = arith.constant 112 : index
        %swap3A_568 = tpu.vector_load %arg10[%swap3A_566, %swap3A_567] {strides = array<i32>} : memref<80x128xf32, #tpu.memory_space<vmem>>, vector<1x16xf32>,
        %swap3A_569 = vector.shape_cast %swap3A_568 : vector<1x16xf32> to vector<16xf32>
        %swap3A_570 = vector.shape_cast %mul3A_565 : vector<16xf32> to vector<1x16xf32>
        tpu.vector_store %arg10[%swap3A_566, %swap3A_567], %swap3A_570 {strides = array<i32>} : memref<80x128xf32, #tpu.memory_space<vmem>>, vector<1x16xf32>,
        %broadcast_in_dim3A_571 = arith.constant 6 : i32
        %broadcast_in_dim3A_572 = vector.broadcast %broadcast_in_dim3A_571 : i32 to vector<16x1xi32>
        %gather3A_573 = vector.shape_cast %broadcast_in_dim3A_572 : vector<16x1xi32> to vector<16xi32>
        %gather3A_574 = tpu.dynamic_gather %get3A_45[%gather3A_573] in [0] : vector<16xf32>, vector<16xi32> -> vector<16xf32>
        %mul3A_575 = arith.constant 16 : i32
        %mul3A_576 = arith.muli %scan3A_41, %mul3A_575 : i32
        %add3A_577 = arith.constant 6 : i32
        %add3A_578 = arith.addi %mul3A_576, %add3A_577 : i32
        %get3A_579 = arith.index_cast %add3A_578 : i32 to index
        %get3A_580 = arith.constant 0 : index
        %get3A_581 = tpu.vector_load %arg10[%get3A_579, %get3A_580] {strides = array<i32>} : memref<80x128xf32, #tpu.memory_space<vmem>>, vector<1x16xf32>,
        %get3A_582 = vector.shape_cast %get3A_581 : vector<1x16xf32> to vector<16xf32>
        %mul3A_583 = arith.mulf %get3A_582, %gather3A_574 : vector<16xf32>
        %swap3A_584 = arith.index_cast %add3A_578 : i32 to index
        %swap3A_585 = arith.constant 0 : index
        %swap3A_586 = tpu.vector_load %arg10[%swap3A_584, %swap3A_585] {strides = array<i32>} : memref<80x128xf32, #tpu.memory_space<vmem>>, vector<1x16xf32>,
        %swap3A_587 = vector.shape_cast %swap3A_586 : vector<1x16xf32> to vector<16xf32>
        %swap3A_588 = vector.shape_cast %mul3A_583 : vector<16xf32> to vector<1x16xf32>
        tpu.vector_store %arg10[%swap3A_584, %swap3A_585], %swap3A_588 {strides = array<i32>} : memref<80x128xf32, #tpu.memory_space<vmem>>, vector<1x16xf32>,
        %get3A_589 = arith.index_cast %add3A_578 : i32 to index
        %get3A_590 = arith.constant 16 : index
        %get3A_591 = tpu.vector_load %arg10[%get3A_589, %get3A_590] {strides = array<i32>} : memref<80x128xf32, #tpu.memory_space<vmem>>, vector<1x16xf32>,
        %get3A_592 = vector.shape_cast %get3A_591 : vector<1x16xf32> to vector<16xf32>
        %mul3A_593 = arith.mulf %get3A_592, %gather3A_574 : vector<16xf32>
        %swap3A_594 = arith.index_cast %add3A_578 : i32 to index
        %swap3A_595 = arith.constant 16 : index
        %swap3A_596 = tpu.vector_load %arg10[%swap3A_594, %swap3A_595] {strides = array<i32>} : memref<80x128xf32, #tpu.memory_space<vmem>>, vector<1x16xf32>,
        %swap3A_597 = vector.shape_cast %swap3A_596 : vector<1x16xf32> to vector<16xf32>
        %swap3A_598 = vector.shape_cast %mul3A_593 : vector<16xf32> to vector<1x16xf32>
        tpu.vector_store %arg10[%swap3A_594, %swap3A_595], %swap3A_598 {strides = array<i32>} : memref<80x128xf32, #tpu.memory_space<vmem>>, vector<1x16xf32>,
        %get3A_599 = arith.index_cast %add3A_578 : i32 to index
        %get3A_600 = arith.constant 32 : index
        %get3A_601 = tpu.vector_load %arg10[%get3A_599, %get3A_600] {strides = array<i32>} : memref<80x128xf32, #tpu.memory_space<vmem>>, vector<1x16xf32>,
        %get3A_602 = vector.shape_cast %get3A_601 : vector<1x16xf32> to vector<16xf32>
        %mul3A_603 = arith.mulf %get3A_602, %gather3A_574 : vector<16xf32>
        %swap3A_604 = arith.index_cast %add3A_578 : i32 to index
        %swap3A_605 = arith.constant 32 : index
        %swap3A_606 = tpu.vector_load %arg10[%swap3A_604, %swap3A_605] {strides = array<i32>} : memref<80x128xf32, #tpu.memory_space<vmem>>, vector<1x16xf32>,
        %swap3A_607 = vector.shape_cast %swap3A_606 : vector<1x16xf32> to vector<16xf32>
        %swap3A_608 = vector.shape_cast %mul3A_603 : vector<16xf32> to vector<1x16xf32>
        tpu.vector_store %arg10[%swap3A_604, %swap3A_605], %swap3A_608 {strides = array<i32>} : memref<80x128xf32, #tpu.memory_space<vmem>>, vector<1x16xf32>,
        %get3A_609 = arith.index_cast %add3A_578 : i32 to index
        %get3A_610 = arith.constant 48 : index
        %get3A_611 = tpu.vector_load %arg10[%get3A_609, %get3A_610] {strides = array<i32>} : memref<80x128xf32, #tpu.memory_space<vmem>>, vector<1x16xf32>,
        %get3A_612 = vector.shape_cast %get3A_611 : vector<1x16xf32> to vector<16xf32>
        %mul3A_613 = arith.mulf %get3A_612, %gather3A_574 : vector<16xf32>
        %swap3A_614 = arith.index_cast %add3A_578 : i32 to index
        %swap3A_615 = arith.constant 48 : index
        %swap3A_616 = tpu.vector_load %arg10[%swap3A_614, %swap3A_615] {strides = array<i32>} : memref<80x128xf32, #tpu.memory_space<vmem>>, vector<1x16xf32>,
        %swap3A_617 = vector.shape_cast %swap3A_616 : vector<1x16xf32> to vector<16xf32>
        %swap3A_618 = vector.shape_cast %mul3A_613 : vector<16xf32> to vector<1x16xf32>
        tpu.vector_store %arg10[%swap3A_614, %swap3A_615], %swap3A_618 {strides = array<i32>} : memref<80x128xf32, #tpu.memory_space<vmem>>, vector<1x16xf32>,
        %get3A_619 = arith.index_cast %add3A_578 : i32 to index
        %get3A_620 = arith.constant 64 : index
        %get3A_621 = tpu.vector_load %arg10[%get3A_619, %get3A_620] {strides = array<i32>} : memref<80x128xf32, #tpu.memory_space<vmem>>, vector<1x16xf32>,
        %get3A_622 = vector.shape_cast %get3A_621 : vector<1x16xf32> to vector<16xf32>
        %mul3A_623 = arith.mulf %get3A_622, %gather3A_574 : vector<16xf32>
        %swap3A_624 = arith.index_cast %add3A_578 : i32 to index
        %swap3A_625 = arith.constant 64 : index
        %swap3A_626 = tpu.vector_load %arg10[%swap3A_624, %swap3A_625] {strides = array<i32>} : memref<80x128xf32, #tpu.memory_space<vmem>>, vector<1x16xf32>,
        %swap3A_627 = vector.shape_cast %swap3A_626 : vector<1x16xf32> to vector<16xf32>
        %swap3A_628 = vector.shape_cast %mul3A_623 : vector<16xf32> to vector<1x16xf32>
        tpu.vector_store %arg10[%swap3A_624, %swap3A_625], %swap3A_628 {strides = array<i32>} : memref<80x128xf32, #tpu.memory_space<vmem>>, vector<1x16xf32>,
        %get3A_629 = arith.index_cast %add3A_578 : i32 to index
        %get3A_630 = arith.constant 80 : index
        %get3A_631 = tpu.vector_load %arg10[%get3A_629, %get3A_630] {strides = array<i32>} : memref<80x128xf32, #tpu.memory_space<vmem>>, vector<1x16xf32>,
        %get3A_632 = vector.shape_cast %get3A_631 : vector<1x16xf32> to vector<16xf32>
        %mul3A_633 = arith.mulf %get3A_632, %gather3A_574 : vector<16xf32>
        %swap3A_634 = arith.index_cast %add3A_578 : i32 to index
        %swap3A_635 = arith.constant 80 : index
        %swap3A_636 = tpu.vector_load %arg10[%swap3A_634, %swap3A_635] {strides = array<i32>} : memref<80x128xf32, #tpu.memory_space<vmem>>, vector<1x16xf32>,
        %swap3A_637 = vector.shape_cast %swap3A_636 : vector<1x16xf32> to vector<16xf32>
        %swap3A_638 = vector.shape_cast %mul3A_633 : vector<16xf32> to vector<1x16xf32>
        tpu.vector_store %arg10[%swap3A_634, %swap3A_635], %swap3A_638 {strides = array<i32>} : memref<80x128xf32, #tpu.memory_space<vmem>>, vector<1x16xf32>,
        %get3A_639 = arith.index_cast %add3A_578 : i32 to index
        %get3A_640 = arith.constant 96 : index
        %get3A_641 = tpu.vector_load %arg10[%get3A_639, %get3A_640] {strides = array<i32>} : memref<80x128xf32, #tpu.memory_space<vmem>>, vector<1x16xf32>,
        %get3A_642 = vector.shape_cast %get3A_641 : vector<1x16xf32> to vector<16xf32>
        %mul3A_643 = arith.mulf %get3A_642, %gather3A_574 : vector<16xf32>
        %swap3A_644 = arith.index_cast %add3A_578 : i32 to index
        %swap3A_645 = arith.constant 96 : index
        %swap3A_646 = tpu.vector_load %arg10[%swap3A_644, %swap3A_645] {strides = array<i32>} : memref<80x128xf32, #tpu.memory_space<vmem>>, vector<1x16xf32>,
        %swap3A_647 = vector.shape_cast %swap3A_646 : vector<1x16xf32> to vector<16xf32>
        %swap3A_648 = vector.shape_cast %mul3A_643 : vector<16xf32> to vector<1x16xf32>
        tpu.vector_store %arg10[%swap3A_644, %swap3A_645], %swap3A_648 {strides = array<i32>} : memref<80x128xf32, #tpu.memory_space<vmem>>, vector<1x16xf32>,
        %get3A_649 = arith.index_cast %add3A_578 : i32 to index
        %get3A_650 = arith.constant 112 : index
        %get3A_651 = tpu.vector_load %arg10[%get3A_649, %get3A_650] {strides = array<i32>} : memref<80x128xf32, #tpu.memory_space<vmem>>, vector<1x16xf32>,
        %get3A_652 = vector.shape_cast %get3A_651 : vector<1x16xf32> to vector<16xf32>
        %mul3A_653 = arith.mulf %get3A_652, %gather3A_574 : vector<16xf32>
        %swap3A_654 = arith.index_cast %add3A_578 : i32 to index
        %swap3A_655 = arith.constant 112 : index
        %swap3A_656 = tpu.vector_load %arg10[%swap3A_654, %swap3A_655] {strides = array<i32>} : memref<80x128xf32, #tpu.memory_space<vmem>>, vector<1x16xf32>,
        %swap3A_657 = vector.shape_cast %swap3A_656 : vector<1x16xf32> to vector<16xf32>
        %swap3A_658 = vector.shape_cast %mul3A_653 : vector<16xf32> to vector<1x16xf32>
        tpu.vector_store %arg10[%swap3A_654, %swap3A_655], %swap3A_658 {strides = array<i32>} : memref<80x128xf32, #tpu.memory_space<vmem>>, vector<1x16xf32>,
        %broadcast_in_dim3A_659 = arith.constant 7 : i32
        %broadcast_in_dim3A_660 = vector.broadcast %broadcast_in_dim3A_659 : i32 to vector<16x1xi32>
        %gather3A_661 = vector.shape_cast %broadcast_in_dim3A_660 : vector<16x1xi32> to vector<16xi32>
        %gather3A_662 = tpu.dynamic_gather %get3A_45[%gather3A_661] in [0] : vector<16xf32>, vector<16xi32> -> vector<16xf32>
        %mul3A_663 = arith.constant 16 : i32
        %mul3A_664 = arith.muli %scan3A_41, %mul3A_663 : i32
        %add3A_665 = arith.constant 7 : i32
        %add3A_666 = arith.addi %mul3A_664, %add3A_665 : i32
        %get3A_667 = arith.index_cast %add3A_666 : i32 to index
        %get3A_668 = arith.constant 0 : index
        %get3A_669 = tpu.vector_load %arg10[%get3A_667, %get3A_668] {strides = array<i32>} : memref<80x128xf32, #tpu.memory_space<vmem>>, vector<1x16xf32>,
        %get3A_670 = vector.shape_cast %get3A_669 : vector<1x16xf32> to vector<16xf32>
        %mul3A_671 = arith.mulf %get3A_670, %gather3A_662 : vector<16xf32>
        %swap3A_672 = arith.index_cast %add3A_666 : i32 to index
        %swap3A_673 = arith.constant 0 : index
        %swap3A_674 = tpu.vector_load %arg10[%swap3A_672, %swap3A_673] {strides = array<i32>} : memref<80x128xf32, #tpu.memory_space<vmem>>, vector<1x16xf32>,
        %swap3A_675 = vector.shape_cast %swap3A_674 : vector<1x16xf32> to vector<16xf32>
        %swap3A_676 = vector.shape_cast %mul3A_671 : vector<16xf32> to vector<1x16xf32>
        tpu.vector_store %arg10[%swap3A_672, %swap3A_673], %swap3A_676 {strides = array<i32>} : memref<80x128xf32, #tpu.memory_space<vmem>>, vector<1x16xf32>,
        %get3A_677 = arith.index_cast %add3A_666 : i32 to index
        %get3A_678 = arith.constant 16 : index
        %get3A_679 = tpu.vector_load %arg10[%get3A_677, %get3A_678] {strides = array<i32>} : memref<80x128xf32, #tpu.memory_space<vmem>>, vector<1x16xf32>,
        %get3A_680 = vector.shape_cast %get3A_679 : vector<1x16xf32> to vector<16xf32>
        %mul3A_681 = arith.mulf %get3A_680, %gather3A_662 : vector<16xf32>
        %swap3A_682 = arith.index_cast %add3A_666 : i32 to index
        %swap3A_683 = arith.constant 16 : index
        %swap3A_684 = tpu.vector_load %arg10[%swap3A_682, %swap3A_683] {strides = array<i32>} : memref<80x128xf32, #tpu.memory_space<vmem>>, vector<1x16xf32>,
        %swap3A_685 = vector.shape_cast %swap3A_684 : vector<1x16xf32> to vector<16xf32>
        %swap3A_686 = vector.shape_cast %mul3A_681 : vector<16xf32> to vector<1x16xf32>
        tpu.vector_store %arg10[%swap3A_682, %swap3A_683], %swap3A_686 {strides = array<i32>} : memref<80x128xf32, #tpu.memory_space<vmem>>, vector<1x16xf32>,
        %get3A_687 = arith.index_cast %add3A_666 : i32 to index
        %get3A_688 = arith.constant 32 : index
        %get3A_689 = tpu.vector_load %arg10[%get3A_687, %get3A_688] {strides = array<i32>} : memref<80x128xf32, #tpu.memory_space<vmem>>, vector<1x16xf32>,
        %get3A_690 = vector.shape_cast %get3A_689 : vector<1x16xf32> to vector<16xf32>
        %mul3A_691 = arith.mulf %get3A_690, %gather3A_662 : vector<16xf32>
        %swap3A_692 = arith.index_cast %add3A_666 : i32 to index
        %swap3A_693 = arith.constant 32 : index
        %swap3A_694 = tpu.vector_load %arg10[%swap3A_692, %swap3A_693] {strides = array<i32>} : memref<80x128xf32, #tpu.memory_space<vmem>>, vector<1x16xf32>,
        %swap3A_695 = vector.shape_cast %swap3A_694 : vector<1x16xf32> to vector<16xf32>
        %swap3A_696 = vector.shape_cast %mul3A_691 : vector<16xf32> to vector<1x16xf32>
        tpu.vector_store %arg10[%swap3A_692, %swap3A_693], %swap3A_696 {strides = array<i32>} : memref<80x128xf32, #tpu.memory_space<vmem>>, vector<1x16xf32>,
        %get3A_697 = arith.index_cast %add3A_666 : i32 to index
        %get3A_698 = arith.constant 48 : index
        %get3A_699 = tpu.vector_load %arg10[%get3A_697, %get3A_698] {strides = array<i32>} : memref<80x128xf32, #tpu.memory_space<vmem>>, vector<1x16xf32>,
        %get3A_700 = vector.shape_cast %get3A_699 : vector<1x16xf32> to vector<16xf32>
        %mul3A_701 = arith.mulf %get3A_700, %gather3A_662 : vector<16xf32>
        %swap3A_702 = arith.index_cast %add3A_666 : i32 to index
        %swap3A_703 = arith.constant 48 : index
        %swap3A_704 = tpu.vector_load %arg10[%swap3A_702, %swap3A_703] {strides = array<i32>} : memref<80x128xf32, #tpu.memory_space<vmem>>, vector<1x16xf32>,
        %swap3A_705 = vector.shape_cast %swap3A_704 : vector<1x16xf32> to vector<16xf32>
        %swap3A_706 = vector.shape_cast %mul3A_701 : vector<16xf32> to vector<1x16xf32>
        tpu.vector_store %arg10[%swap3A_702, %swap3A_703], %swap3A_706 {strides = array<i32>} : memref<80x128xf32, #tpu.memory_space<vmem>>, vector<1x16xf32>,
        %get3A_707 = arith.index_cast %add3A_666 : i32 to index
        %get3A_708 = arith.constant 64 : index
        %get3A_709 = tpu.vector_load %arg10[%get3A_707, %get3A_708] {strides = array<i32>} : memref<80x128xf32, #tpu.memory_space<vmem>>, vector<1x16xf32>,
        %get3A_710 = vector.shape_cast %get3A_709 : vector<1x16xf32> to vector<16xf32>
        %mul3A_711 = arith.mulf %get3A_710, %gather3A_662 : vector<16xf32>
        %swap3A_712 = arith.index_cast %add3A_666 : i32 to index
        %swap3A_713 = arith.constant 64 : index
        %swap3A_714 = tpu.vector_load %arg10[%swap3A_712, %swap3A_713] {strides = array<i32>} : memref<80x128xf32, #tpu.memory_space<vmem>>, vector<1x16xf32>,
        %swap3A_715 = vector.shape_cast %swap3A_714 : vector<1x16xf32> to vector<16xf32>
        %swap3A_716 = vector.shape_cast %mul3A_711 : vector<16xf32> to vector<1x16xf32>
        tpu.vector_store %arg10[%swap3A_712, %swap3A_713], %swap3A_716 {strides = array<i32>} : memref<80x128xf32, #tpu.memory_space<vmem>>, vector<1x16xf32>,
        %get3A_717 = arith.index_cast %add3A_666 : i32 to index
        %get3A_718 = arith.constant 80 : index
        %get3A_719 = tpu.vector_load %arg10[%get3A_717, %get3A_718] {strides = array<i32>} : memref<80x128xf32, #tpu.memory_space<vmem>>, vector<1x16xf32>,
        %get3A_720 = vector.shape_cast %get3A_719 : vector<1x16xf32> to vector<16xf32>
        %mul3A_721 = arith.mulf %get3A_720, %gather3A_662 : vector<16xf32>
        %swap3A_722 = arith.index_cast %add3A_666 : i32 to index
        %swap3A_723 = arith.constant 80 : index
        %swap3A_724 = tpu.vector_load %arg10[%swap3A_722, %swap3A_723] {strides = array<i32>} : memref<80x128xf32, #tpu.memory_space<vmem>>, vector<1x16xf32>,
        %swap3A_725 = vector.shape_cast %swap3A_724 : vector<1x16xf32> to vector<16xf32>
        %swap3A_726 = vector.shape_cast %mul3A_721 : vector<16xf32> to vector<1x16xf32>
        tpu.vector_store %arg10[%swap3A_722, %swap3A_723], %swap3A_726 {strides = array<i32>} : memref<80x128xf32, #tpu.memory_space<vmem>>, vector<1x16xf32>,
        %get3A_727 = arith.index_cast %add3A_666 : i32 to index
        %get3A_728 = arith.constant 96 : index
        %get3A_729 = tpu.vector_load %arg10[%get3A_727, %get3A_728] {strides = array<i32>} : memref<80x128xf32, #tpu.memory_space<vmem>>, vector<1x16xf32>,
        %get3A_730 = vector.shape_cast %get3A_729 : vector<1x16xf32> to vector<16xf32>
        %mul3A_731 = arith.mulf %get3A_730, %gather3A_662 : vector<16xf32>
        %swap3A_732 = arith.index_cast %add3A_666 : i32 to index
        %swap3A_733 = arith.constant 96 : index
        %swap3A_734 = tpu.vector_load %arg10[%swap3A_732, %swap3A_733] {strides = array<i32>} : memref<80x128xf32, #tpu.memory_space<vmem>>, vector<1x16xf32>,
        %swap3A_735 = vector.shape_cast %swap3A_734 : vector<1x16xf32> to vector<16xf32>
        %swap3A_736 = vector.shape_cast %mul3A_731 : vector<16xf32> to vector<1x16xf32>
        tpu.vector_store %arg10[%swap3A_732, %swap3A_733], %swap3A_736 {strides = array<i32>} : memref<80x128xf32, #tpu.memory_space<vmem>>, vector<1x16xf32>,
        %get3A_737 = arith.index_cast %add3A_666 : i32 to index
        %get3A_738 = arith.constant 112 : index
        %get3A_739 = tpu.vector_load %arg10[%get3A_737, %get3A_738] {strides = array<i32>} : memref<80x128xf32, #tpu.memory_space<vmem>>, vector<1x16xf32>,
        %get3A_740 = vector.shape_cast %get3A_739 : vector<1x16xf32> to vector<16xf32>
        %mul3A_741 = arith.mulf %get3A_740, %gather3A_662 : vector<16xf32>
        %swap3A_742 = arith.index_cast %add3A_666 : i32 to index
        %swap3A_743 = arith.constant 112 : index
        %swap3A_744 = tpu.vector_load %arg10[%swap3A_742, %swap3A_743] {strides = array<i32>} : memref<80x128xf32, #tpu.memory_space<vmem>>, vector<1x16xf32>,
        %swap3A_745 = vector.shape_cast %swap3A_744 : vector<1x16xf32> to vector<16xf32>
        %swap3A_746 = vector.shape_cast %mul3A_741 : vector<16xf32> to vector<1x16xf32>
        tpu.vector_store %arg10[%swap3A_742, %swap3A_743], %swap3A_746 {strides = array<i32>} : memref<80x128xf32, #tpu.memory_space<vmem>>, vector<1x16xf32>,
        %broadcast_in_dim3A_747 = arith.constant 8 : i32
        %broadcast_in_dim3A_748 = vector.broadcast %broadcast_in_dim3A_747 : i32 to vector<16x1xi32>
        %gather3A_749 = vector.shape_cast %broadcast_in_dim3A_748 : vector<16x1xi32> to vector<16xi32>
        %gather3A_750 = tpu.dynamic_gather %get3A_45[%gather3A_749] in [0] : vector<16xf32>, vector<16xi32> -> vector<16xf32>
        %mul3A_751 = arith.constant 16 : i32
        %mul3A_752 = arith.muli %scan3A_41, %mul3A_751 : i32
        %add3A_753 = arith.constant 8 : i32
        %add3A_754 = arith.addi %mul3A_752, %add3A_753 : i32
        %get3A_755 = arith.index_cast %add3A_754 : i32 to index
        %get3A_756 = arith.constant 0 : index
        %get3A_757 = tpu.vector_load %arg10[%get3A_755, %get3A_756] {strides = array<i32>} : memref<80x128xf32, #tpu.memory_space<vmem>>, vector<1x16xf32>,
        %get3A_758 = vector.shape_cast %get3A_757 : vector<1x16xf32> to vector<16xf32>
        %mul3A_759 = arith.mulf %get3A_758, %gather3A_750 : vector<16xf32>
        %swap3A_760 = arith.index_cast %add3A_754 : i32 to index
        %swap3A_761 = arith.constant 0 : index
        %swap3A_762 = tpu.vector_load %arg10[%swap3A_760, %swap3A_761] {strides = array<i32>} : memref<80x128xf32, #tpu.memory_space<vmem>>, vector<1x16xf32>,
        %swap3A_763 = vector.shape_cast %swap3A_762 : vector<1x16xf32> to vector<16xf32>
        %swap3A_764 = vector.shape_cast %mul3A_759 : vector<16xf32> to vector<1x16xf32>
        tpu.vector_store %arg10[%swap3A_760, %swap3A_761], %swap3A_764 {strides = array<i32>} : memref<80x128xf32, #tpu.memory_space<vmem>>, vector<1x16xf32>,
        %get3A_765 = arith.index_cast %add3A_754 : i32 to index
        %get3A_766 = arith.constant 16 : index
        %get3A_767 = tpu.vector_load %arg10[%get3A_765, %get3A_766] {strides = array<i32>} : memref<80x128xf32, #tpu.memory_space<vmem>>, vector<1x16xf32>,
        %get3A_768 = vector.shape_cast %get3A_767 : vector<1x16xf32> to vector<16xf32>
        %mul3A_769 = arith.mulf %get3A_768, %gather3A_750 : vector<16xf32>
        %swap3A_770 = arith.index_cast %add3A_754 : i32 to index
        %swap3A_771 = arith.constant 16 : index
        %swap3A_772 = tpu.vector_load %arg10[%swap3A_770, %swap3A_771] {strides = array<i32>} : memref<80x128xf32, #tpu.memory_space<vmem>>, vector<1x16xf32>,
        %swap3A_773 = vector.shape_cast %swap3A_772 : vector<1x16xf32> to vector<16xf32>
        %swap3A_774 = vector.shape_cast %mul3A_769 : vector<16xf32> to vector<1x16xf32>
        tpu.vector_store %arg10[%swap3A_770, %swap3A_771], %swap3A_774 {strides = array<i32>} : memref<80x128xf32, #tpu.memory_space<vmem>>, vector<1x16xf32>,
        %get3A_775 = arith.index_cast %add3A_754 : i32 to index
        %get3A_776 = arith.constant 32 : index
        %get3A_777 = tpu.vector_load %arg10[%get3A_775, %get3A_776] {strides = array<i32>} : memref<80x128xf32, #tpu.memory_space<vmem>>, vector<1x16xf32>,
        %get3A_778 = vector.shape_cast %get3A_777 : vector<1x16xf32> to vector<16xf32>
        %mul3A_779 = arith.mulf %get3A_778, %gather3A_750 : vector<16xf32>
        %swap3A_780 = arith.index_cast %add3A_754 : i32 to index
        %swap3A_781 = arith.constant 32 : index
        %swap3A_782 = tpu.vector_load %arg10[%swap3A_780, %swap3A_781] {strides = array<i32>} : memref<80x128xf32, #tpu.memory_space<vmem>>, vector<1x16xf32>,
        %swap3A_783 = vector.shape_cast %swap3A_782 : vector<1x16xf32> to vector<16xf32>
        %swap3A_784 = vector.shape_cast %mul3A_779 : vector<16xf32> to vector<1x16xf32>
        tpu.vector_store %arg10[%swap3A_780, %swap3A_781], %swap3A_784 {strides = array<i32>} : memref<80x128xf32, #tpu.memory_space<vmem>>, vector<1x16xf32>,
        %get3A_785 = arith.index_cast %add3A_754 : i32 to index
        %get3A_786 = arith.constant 48 : index
        %get3A_787 = tpu.vector_load %arg10[%get3A_785, %get3A_786] {strides = array<i32>} : memref<80x128xf32, #tpu.memory_space<vmem>>, vector<1x16xf32>,
        %get3A_788 = vector.shape_cast %get3A_787 : vector<1x16xf32> to vector<16xf32>
        %mul3A_789 = arith.mulf %get3A_788, %gather3A_750 : vector<16xf32>
        %swap3A_790 = arith.index_cast %add3A_754 : i32 to index
        %swap3A_791 = arith.constant 48 : index
        %swap3A_792 = tpu.vector_load %arg10[%swap3A_790, %swap3A_791] {strides = array<i32>} : memref<80x128xf32, #tpu.memory_space<vmem>>, vector<1x16xf32>,
        %swap3A_793 = vector.shape_cast %swap3A_792 : vector<1x16xf32> to vector<16xf32>
        %swap3A_794 = vector.shape_cast %mul3A_789 : vector<16xf32> to vector<1x16xf32>
        tpu.vector_store %arg10[%swap3A_790, %swap3A_791], %swap3A_794 {strides = array<i32>} : memref<80x128xf32, #tpu.memory_space<vmem>>, vector<1x16xf32>,
        %get3A_795 = arith.index_cast %add3A_754 : i32 to index
        %get3A_796 = arith.constant 64 : index
        %get3A_797 = tpu.vector_load %arg10[%get3A_795, %get3A_796] {strides = array<i32>} : memref<80x128xf32, #tpu.memory_space<vmem>>, vector<1x16xf32>,
        %get3A_798 = vector.shape_cast %get3A_797 : vector<1x16xf32> to vector<16xf32>
        %mul3A_799 = arith.mulf %get3A_798, %gather3A_750 : vector<16xf32>
        %swap3A_800 = arith.index_cast %add3A_754 : i32 to index
        %swap3A_801 = arith.constant 64 : index
        %swap3A_802 = tpu.vector_load %arg10[%swap3A_800, %swap3A_801] {strides = array<i32>} : memref<80x128xf32, #tpu.memory_space<vmem>>, vector<1x16xf32>,
        %swap3A_803 = vector.shape_cast %swap3A_802 : vector<1x16xf32> to vector<16xf32>
        %swap3A_804 = vector.shape_cast %mul3A_799 : vector<16xf32> to vector<1x16xf32>
        tpu.vector_store %arg10[%swap3A_800, %swap3A_801], %swap3A_804 {strides = array<i32>} : memref<80x128xf32, #tpu.memory_space<vmem>>, vector<1x16xf32>,
        %get3A_805 = arith.index_cast %add3A_754 : i32 to index
        %get3A_806 = arith.constant 80 : index
        %get3A_807 = tpu.vector_load %arg10[%get3A_805, %get3A_806] {strides = array<i32>} : memref<80x128xf32, #tpu.memory_space<vmem>>, vector<1x16xf32>,
        %get3A_808 = vector.shape_cast %get3A_807 : vector<1x16xf32> to vector<16xf32>
        %mul3A_809 = arith.mulf %get3A_808, %gather3A_750 : vector<16xf32>
        %swap3A_810 = arith.index_cast %add3A_754 : i32 to index
        %swap3A_811 = arith.constant 80 : index
        %swap3A_812 = tpu.vector_load %arg10[%swap3A_810, %swap3A_811] {strides = array<i32>} : memref<80x128xf32, #tpu.memory_space<vmem>>, vector<1x16xf32>,
        %swap3A_813 = vector.shape_cast %swap3A_812 : vector<1x16xf32> to vector<16xf32>
        %swap3A_814 = vector.shape_cast %mul3A_809 : vector<16xf32> to vector<1x16xf32>
        tpu.vector_store %arg10[%swap3A_810, %swap3A_811], %swap3A_814 {strides = array<i32>} : memref<80x128xf32, #tpu.memory_space<vmem>>, vector<1x16xf32>,
        %get3A_815 = arith.index_cast %add3A_754 : i32 to index
        %get3A_816 = arith.constant 96 : index
        %get3A_817 = tpu.vector_load %arg10[%get3A_815, %get3A_816] {strides = array<i32>} : memref<80x128xf32, #tpu.memory_space<vmem>>, vector<1x16xf32>,
        %get3A_818 = vector.shape_cast %get3A_817 : vector<1x16xf32> to vector<16xf32>
        %mul3A_819 = arith.mulf %get3A_818, %gather3A_750 : vector<16xf32>
        %swap3A_820 = arith.index_cast %add3A_754 : i32 to index
        %swap3A_821 = arith.constant 96 : index
        %swap3A_822 = tpu.vector_load %arg10[%swap3A_820, %swap3A_821] {strides = array<i32>} : memref<80x128xf32, #tpu.memory_space<vmem>>, vector<1x16xf32>,
        %swap3A_823 = vector.shape_cast %swap3A_822 : vector<1x16xf32> to vector<16xf32>
        %swap3A_824 = vector.shape_cast %mul3A_819 : vector<16xf32> to vector<1x16xf32>
        tpu.vector_store %arg10[%swap3A_820, %swap3A_821], %swap3A_824 {strides = array<i32>} : memref<80x128xf32, #tpu.memory_space<vmem>>, vector<1x16xf32>,
        %get3A_825 = arith.index_cast %add3A_754 : i32 to index
        %get3A_826 = arith.constant 112 : index
        %get3A_827 = tpu.vector_load %arg10[%get3A_825, %get3A_826] {strides = array<i32>} : memref<80x128xf32, #tpu.memory_space<vmem>>, vector<1x16xf32>,
        %get3A_828 = vector.shape_cast %get3A_827 : vector<1x16xf32> to vector<16xf32>
        %mul3A_829 = arith.mulf %get3A_828, %gather3A_750 : vector<16xf32>
        %swap3A_830 = arith.index_cast %add3A_754 : i32 to index
        %swap3A_831 = arith.constant 112 : index
        %swap3A_832 = tpu.vector_load %arg10[%swap3A_830, %swap3A_831] {strides = array<i32>} : memref<80x128xf32, #tpu.memory_space<vmem>>, vector<1x16xf32>,
        %swap3A_833 = vector.shape_cast %swap3A_832 : vector<1x16xf32> to vector<16xf32>
        %swap3A_834 = vector.shape_cast %mul3A_829 : vector<16xf32> to vector<1x16xf32>
        tpu.vector_store %arg10[%swap3A_830, %swap3A_831], %swap3A_834 {strides = array<i32>} : memref<80x128xf32, #tpu.memory_space<vmem>>, vector<1x16xf32>,
        %broadcast_in_dim3A_835 = arith.constant 9 : i32
        %broadcast_in_dim3A_836 = vector.broadcast %broadcast_in_dim3A_835 : i32 to vector<16x1xi32>
        %gather3A_837 = vector.shape_cast %broadcast_in_dim3A_836 : vector<16x1xi32> to vector<16xi32>
        %gather3A_838 = tpu.dynamic_gather %get3A_45[%gather3A_837] in [0] : vector<16xf32>, vector<16xi32> -> vector<16xf32>
        %mul3A_839 = arith.constant 16 : i32
        %mul3A_840 = arith.muli %scan3A_41, %mul3A_839 : i32
        %add3A_841 = arith.constant 9 : i32
        %add3A_842 = arith.addi %mul3A_840, %add3A_841 : i32
        %get3A_843 = arith.index_cast %add3A_842 : i32 to index
        %get3A_844 = arith.constant 0 : index
        %get3A_845 = tpu.vector_load %arg10[%get3A_843, %get3A_844] {strides = array<i32>} : memref<80x128xf32, #tpu.memory_space<vmem>>, vector<1x16xf32>,
        %get3A_846 = vector.shape_cast %get3A_845 : vector<1x16xf32> to vector<16xf32>
        %mul3A_847 = arith.mulf %get3A_846, %gather3A_838 : vector<16xf32>
        %swap3A_848 = arith.index_cast %add3A_842 : i32 to index
        %swap3A_849 = arith.constant 0 : index
        %swap3A_850 = tpu.vector_load %arg10[%swap3A_848, %swap3A_849] {strides = array<i32>} : memref<80x128xf32, #tpu.memory_space<vmem>>, vector<1x16xf32>,
        %swap3A_851 = vector.shape_cast %swap3A_850 : vector<1x16xf32> to vector<16xf32>
        %swap3A_852 = vector.shape_cast %mul3A_847 : vector<16xf32> to vector<1x16xf32>
        tpu.vector_store %arg10[%swap3A_848, %swap3A_849], %swap3A_852 {strides = array<i32>} : memref<80x128xf32, #tpu.memory_space<vmem>>, vector<1x16xf32>,
        %get3A_853 = arith.index_cast %add3A_842 : i32 to index
        %get3A_854 = arith.constant 16 : index
        %get3A_855 = tpu.vector_load %arg10[%get3A_853, %get3A_854] {strides = array<i32>} : memref<80x128xf32, #tpu.memory_space<vmem>>, vector<1x16xf32>,
        %get3A_856 = vector.shape_cast %get3A_855 : vector<1x16xf32> to vector<16xf32>
        %mul3A_857 = arith.mulf %get3A_856, %gather3A_838 : vector<16xf32>
        %swap3A_858 = arith.index_cast %add3A_842 : i32 to index
        %swap3A_859 = arith.constant 16 : index
        %swap3A_860 = tpu.vector_load %arg10[%swap3A_858, %swap3A_859] {strides = array<i32>} : memref<80x128xf32, #tpu.memory_space<vmem>>, vector<1x16xf32>,
        %swap3A_861 = vector.shape_cast %swap3A_860 : vector<1x16xf32> to vector<16xf32>
        %swap3A_862 = vector.shape_cast %mul3A_857 : vector<16xf32> to vector<1x16xf32>
        tpu.vector_store %arg10[%swap3A_858, %swap3A_859], %swap3A_862 {strides = array<i32>} : memref<80x128xf32, #tpu.memory_space<vmem>>, vector<1x16xf32>,
        %get3A_863 = arith.index_cast %add3A_842 : i32 to index
        %get3A_864 = arith.constant 32 : index
        %get3A_865 = tpu.vector_load %arg10[%get3A_863, %get3A_864] {strides = array<i32>} : memref<80x128xf32, #tpu.memory_space<vmem>>, vector<1x16xf32>,
        %get3A_866 = vector.shape_cast %get3A_865 : vector<1x16xf32> to vector<16xf32>
        %mul3A_867 = arith.mulf %get3A_866, %gather3A_838 : vector<16xf32>
        %swap3A_868 = arith.index_cast %add3A_842 : i32 to index
        %swap3A_869 = arith.constant 32 : index
        %swap3A_870 = tpu.vector_load %arg10[%swap3A_868, %swap3A_869] {strides = array<i32>} : memref<80x128xf32, #tpu.memory_space<vmem>>, vector<1x16xf32>,
        %swap3A_871 = vector.shape_cast %swap3A_870 : vector<1x16xf32> to vector<16xf32>
        %swap3A_872 = vector.shape_cast %mul3A_867 : vector<16xf32> to vector<1x16xf32>
        tpu.vector_store %arg10[%swap3A_868, %swap3A_869], %swap3A_872 {strides = array<i32>} : memref<80x128xf32, #tpu.memory_space<vmem>>, vector<1x16xf32>,
        %get3A_873 = arith.index_cast %add3A_842 : i32 to index
        %get3A_874 = arith.constant 48 : index
        %get3A_875 = tpu.vector_load %arg10[%get3A_873, %get3A_874] {strides = array<i32>} : memref<80x128xf32, #tpu.memory_space<vmem>>, vector<1x16xf32>,
        %get3A_876 = vector.shape_cast %get3A_875 : vector<1x16xf32> to vector<16xf32>
        %mul3A_877 = arith.mulf %get3A_876, %gather3A_838 : vector<16xf32>
        %swap3A_878 = arith.index_cast %add3A_842 : i32 to index
        %swap3A_879 = arith.constant 48 : index
        %swap3A_880 = tpu.vector_load %arg10[%swap3A_878, %swap3A_879] {strides = array<i32>} : memref<80x128xf32, #tpu.memory_space<vmem>>, vector<1x16xf32>,
        %swap3A_881 = vector.shape_cast %swap3A_880 : vector<1x16xf32> to vector<16xf32>
        %swap3A_882 = vector.shape_cast %mul3A_877 : vector<16xf32> to vector<1x16xf32>
        tpu.vector_store %arg10[%swap3A_878, %swap3A_879], %swap3A_882 {strides = array<i32>} : memref<80x128xf32, #tpu.memory_space<vmem>>, vector<1x16xf32>,
        %get3A_883 = arith.index_cast %add3A_842 : i32 to index
        %get3A_884 = arith.constant 64 : index
        %get3A_885 = tpu.vector_load %arg10[%get3A_883, %get3A_884] {strides = array<i32>} : memref<80x128xf32, #tpu.memory_space<vmem>>, vector<1x16xf32>,
        %get3A_886 = vector.shape_cast %get3A_885 : vector<1x16xf32> to vector<16xf32>
        %mul3A_887 = arith.mulf %get3A_886, %gather3A_838 : vector<16xf32>
        %swap3A_888 = arith.index_cast %add3A_842 : i32 to index
        %swap3A_889 = arith.constant 64 : index
        %swap3A_890 = tpu.vector_load %arg10[%swap3A_888, %swap3A_889] {strides = array<i32>} : memref<80x128xf32, #tpu.memory_space<vmem>>, vector<1x16xf32>,
        %swap3A_891 = vector.shape_cast %swap3A_890 : vector<1x16xf32> to vector<16xf32>
        %swap3A_892 = vector.shape_cast %mul3A_887 : vector<16xf32> to vector<1x16xf32>
        tpu.vector_store %arg10[%swap3A_888, %swap3A_889], %swap3A_892 {strides = array<i32>} : memref<80x128xf32, #tpu.memory_space<vmem>>, vector<1x16xf32>,
        %get3A_893 = arith.index_cast %add3A_842 : i32 to index
        %get3A_894 = arith.constant 80 : index
        %get3A_895 = tpu.vector_load %arg10[%get3A_893, %get3A_894] {strides = array<i32>} : memref<80x128xf32, #tpu.memory_space<vmem>>, vector<1x16xf32>,
        %get3A_896 = vector.shape_cast %get3A_895 : vector<1x16xf32> to vector<16xf32>
        %mul3A_897 = arith.mulf %get3A_896, %gather3A_838 : vector<16xf32>
        %swap3A_898 = arith.index_cast %add3A_842 : i32 to index
        %swap3A_899 = arith.constant 80 : index
        %swap3A_900 = tpu.vector_load %arg10[%swap3A_898, %swap3A_899] {strides = array<i32>} : memref<80x128xf32, #tpu.memory_space<vmem>>, vector<1x16xf32>,
        %swap3A_901 = vector.shape_cast %swap3A_900 : vector<1x16xf32> to vector<16xf32>
        %swap3A_902 = vector.shape_cast %mul3A_897 : vector<16xf32> to vector<1x16xf32>
        tpu.vector_store %arg10[%swap3A_898, %swap3A_899], %swap3A_902 {strides = array<i32>} : memref<80x128xf32, #tpu.memory_space<vmem>>, vector<1x16xf32>,
        %get3A_903 = arith.index_cast %add3A_842 : i32 to index
        %get3A_904 = arith.constant 96 : index
        %get3A_905 = tpu.vector_load %arg10[%get3A_903, %get3A_904] {strides = array<i32>} : memref<80x128xf32, #tpu.memory_space<vmem>>, vector<1x16xf32>,
        %get3A_906 = vector.shape_cast %get3A_905 : vector<1x16xf32> to vector<16xf32>
        %mul3A_907 = arith.mulf %get3A_906, %gather3A_838 : vector<16xf32>
        %swap3A_908 = arith.index_cast %add3A_842 : i32 to index
        %swap3A_909 = arith.constant 96 : index
        %swap3A_910 = tpu.vector_load %arg10[%swap3A_908, %swap3A_909] {strides = array<i32>} : memref<80x128xf32, #tpu.memory_space<vmem>>, vector<1x16xf32>,
        %swap3A_911 = vector.shape_cast %swap3A_910 : vector<1x16xf32> to vector<16xf32>
        %swap3A_912 = vector.shape_cast %mul3A_907 : vector<16xf32> to vector<1x16xf32>
        tpu.vector_store %arg10[%swap3A_908, %swap3A_909], %swap3A_912 {strides = array<i32>} : memref<80x128xf32, #tpu.memory_space<vmem>>, vector<1x16xf32>,
        %get3A_913 = arith.index_cast %add3A_842 : i32 to index
        %get3A_914 = arith.constant 112 : index
        %get3A_915 = tpu.vector_load %arg10[%get3A_913, %get3A_914] {strides = array<i32>} : memref<80x128xf32, #tpu.memory_space<vmem>>, vector<1x16xf32>,
        %get3A_916 = vector.shape_cast %get3A_915 : vector<1x16xf32> to vector<16xf32>
        %mul3A_917 = arith.mulf %get3A_916, %gather3A_838 : vector<16xf32>
        %swap3A_918 = arith.index_cast %add3A_842 : i32 to index
        %swap3A_919 = arith.constant 112 : index
        %swap3A_920 = tpu.vector_load %arg10[%swap3A_918, %swap3A_919] {strides = array<i32>} : memref<80x128xf32, #tpu.memory_space<vmem>>, vector<1x16xf32>,
        %swap3A_921 = vector.shape_cast %swap3A_920 : vector<1x16xf32> to vector<16xf32>
        %swap3A_922 = vector.shape_cast %mul3A_917 : vector<16xf32> to vector<1x16xf32>
        tpu.vector_store %arg10[%swap3A_918, %swap3A_919], %swap3A_922 {strides = array<i32>} : memref<80x128xf32, #tpu.memory_space<vmem>>, vector<1x16xf32>,
        %broadcast_in_dim3A_923 = arith.constant 10 : i32
        %broadcast_in_dim3A_924 = vector.broadcast %broadcast_in_dim3A_923 : i32 to vector<16x1xi32>
        %gather3A_925 = vector.shape_cast %broadcast_in_dim3A_924 : vector<16x1xi32> to vector<16xi32>
        %gather3A_926 = tpu.dynamic_gather %get3A_45[%gather3A_925] in [0] : vector<16xf32>, vector<16xi32> -> vector<16xf32>
        %mul3A_927 = arith.constant 16 : i32
        %mul3A_928 = arith.muli %scan3A_41, %mul3A_927 : i32
        %add3A_929 = arith.constant 10 : i32
        %add3A_930 = arith.addi %mul3A_928, %add3A_929 : i32
        %get3A_931 = arith.index_cast %add3A_930 : i32 to index
        %get3A_932 = arith.constant 0 : index
        %get3A_933 = tpu.vector_load %arg10[%get3A_931, %get3A_932] {strides = array<i32>} : memref<80x128xf32, #tpu.memory_space<vmem>>, vector<1x16xf32>,
        %get3A_934 = vector.shape_cast %get3A_933 : vector<1x16xf32> to vector<16xf32>
        %mul3A_935 = arith.mulf %get3A_934, %gather3A_926 : vector<16xf32>
        %swap3A_936 = arith.index_cast %add3A_930 : i32 to index
        %swap3A_937 = arith.constant 0 : index
        %swap3A_938 = tpu.vector_load %arg10[%swap3A_936, %swap3A_937] {strides = array<i32>} : memref<80x128xf32, #tpu.memory_space<vmem>>, vector<1x16xf32>,
        %swap3A_939 = vector.shape_cast %swap3A_938 : vector<1x16xf32> to vector<16xf32>
        %swap3A_940 = vector.shape_cast %mul3A_935 : vector<16xf32> to vector<1x16xf32>
        tpu.vector_store %arg10[%swap3A_936, %swap3A_937], %swap3A_940 {strides = array<i32>} : memref<80x128xf32, #tpu.memory_space<vmem>>, vector<1x16xf32>,
        %get3A_941 = arith.index_cast %add3A_930 : i32 to index
        %get3A_942 = arith.constant 16 : index
        %get3A_943 = tpu.vector_load %arg10[%get3A_941, %get3A_942] {strides = array<i32>} : memref<80x128xf32, #tpu.memory_space<vmem>>, vector<1x16xf32>,
        %get3A_944 = vector.shape_cast %get3A_943 : vector<1x16xf32> to vector<16xf32>
        %mul3A_945 = arith.mulf %get3A_944, %gather3A_926 : vector<16xf32>
        %swap3A_946 = arith.index_cast %add3A_930 : i32 to index
        %swap3A_947 = arith.constant 16 : index
        %swap3A_948 = tpu.vector_load %arg10[%swap3A_946, %swap3A_947] {strides = array<i32>} : memref<80x128xf32, #tpu.memory_space<vmem>>, vector<1x16xf32>,
        %swap3A_949 = vector.shape_cast %swap3A_948 : vector<1x16xf32> to vector<16xf32>
        %swap3A_950 = vector.shape_cast %mul3A_945 : vector<16xf32> to vector<1x16xf32>
        tpu.vector_store %arg10[%swap3A_946, %swap3A_947], %swap3A_950 {strides = array<i32>} : memref<80x128xf32, #tpu.memory_space<vmem>>, vector<1x16xf32>,
        %get3A_951 = arith.index_cast %add3A_930 : i32 to index
        %get3A_952 = arith.constant 32 : index
        %get3A_953 = tpu.vector_load %arg10[%get3A_951, %get3A_952] {strides = array<i32>} : memref<80x128xf32, #tpu.memory_space<vmem>>, vector<1x16xf32>,
        %get3A_954 = vector.shape_cast %get3A_953 : vector<1x16xf32> to vector<16xf32>
        %mul3A_955 = arith.mulf %get3A_954, %gather3A_926 : vector<16xf32>
        %swap3A_956 = arith.index_cast %add3A_930 : i32 to index
        %swap3A_957 = arith.constant 32 : index
        %swap3A_958 = tpu.vector_load %arg10[%swap3A_956, %swap3A_957] {strides = array<i32>} : memref<80x128xf32, #tpu.memory_space<vmem>>, vector<1x16xf32>,
        %swap3A_959 = vector.shape_cast %swap3A_958 : vector<1x16xf32> to vector<16xf32>
        %swap3A_960 = vector.shape_cast %mul3A_955 : vector<16xf32> to vector<1x16xf32>
        tpu.vector_store %arg10[%swap3A_956, %swap3A_957], %swap3A_960 {strides = array<i32>} : memref<80x128xf32, #tpu.memory_space<vmem>>, vector<1x16xf32>,
        %get3A_961 = arith.index_cast %add3A_930 : i32 to index
        %get3A_962 = arith.constant 48 : index
        %get3A_963 = tpu.vector_load %arg10[%get3A_961, %get3A_962] {strides = array<i32>} : memref<80x128xf32, #tpu.memory_space<vmem>>, vector<1x16xf32>,
        %get3A_964 = vector.shape_cast %get3A_963 : vector<1x16xf32> to vector<16xf32>
        %mul3A_965 = arith.mulf %get3A_964, %gather3A_926 : vector<16xf32>
        %swap3A_966 = arith.index_cast %add3A_930 : i32 to index
        %swap3A_967 = arith.constant 48 : index
        %swap3A_968 = tpu.vector_load %arg10[%swap3A_966, %swap3A_967] {strides = array<i32>} : memref<80x128xf32, #tpu.memory_space<vmem>>, vector<1x16xf32>,
        %swap3A_969 = vector.shape_cast %swap3A_968 : vector<1x16xf32> to vector<16xf32>
        %swap3A_970 = vector.shape_cast %mul3A_965 : vector<16xf32> to vector<1x16xf32>
        tpu.vector_store %arg10[%swap3A_966, %swap3A_967], %swap3A_970 {strides = array<i32>} : memref<80x128xf32, #tpu.memory_space<vmem>>, vector<1x16xf32>,
        %get3A_971 = arith.index_cast %add3A_930 : i32 to index
        %get3A_972 = arith.constant 64 : index
        %get3A_973 = tpu.vector_load %arg10[%get3A_971, %get3A_972] {strides = array<i32>} : memref<80x128xf32, #tpu.memory_space<vmem>>, vector<1x16xf32>,
        %get3A_974 = vector.shape_cast %get3A_973 : vector<1x16xf32> to vector<16xf32>
        %mul3A_975 = arith.mulf %get3A_974, %gather3A_926 : vector<16xf32>
        %swap3A_976 = arith.index_cast %add3A_930 : i32 to index
        %swap3A_977 = arith.constant 64 : index
        %swap3A_978 = tpu.vector_load %arg10[%swap3A_976, %swap3A_977] {strides = array<i32>} : memref<80x128xf32, #tpu.memory_space<vmem>>, vector<1x16xf32>,
        %swap3A_979 = vector.shape_cast %swap3A_978 : vector<1x16xf32> to vector<16xf32>
        %swap3A_980 = vector.shape_cast %mul3A_975 : vector<16xf32> to vector<1x16xf32>
        tpu.vector_store %arg10[%swap3A_976, %swap3A_977], %swap3A_980 {strides = array<i32>} : memref<80x128xf32, #tpu.memory_space<vmem>>, vector<1x16xf32>,
        %get3A_981 = arith.index_cast %add3A_930 : i32 to index
        %get3A_982 = arith.constant 80 : index
        %get3A_983 = tpu.vector_load %arg10[%get3A_981, %get3A_982] {strides = array<i32>} : memref<80x128xf32, #tpu.memory_space<vmem>>, vector<1x16xf32>,
        %get3A_984 = vector.shape_cast %get3A_983 : vector<1x16xf32> to vector<16xf32>
        %mul3A_985 = arith.mulf %get3A_984, %gather3A_926 : vector<16xf32>
        %swap3A_986 = arith.index_cast %add3A_930 : i32 to index
        %swap3A_987 = arith.constant 80 : index
        %swap3A_988 = tpu.vector_load %arg10[%swap3A_986, %swap3A_987] {strides = array<i32>} : memref<80x128xf32, #tpu.memory_space<vmem>>, vector<1x16xf32>,
        %swap3A_989 = vector.shape_cast %swap3A_988 : vector<1x16xf32> to vector<16xf32>
        %swap3A_990 = vector.shape_cast %mul3A_985 : vector<16xf32> to vector<1x16xf32>
        tpu.vector_store %arg10[%swap3A_986, %swap3A_987], %swap3A_990 {strides = array<i32>} : memref<80x128xf32, #tpu.memory_space<vmem>>, vector<1x16xf32>,
        %get3A_991 = arith.index_cast %add3A_930 : i32 to index
        %get3A_992 = arith.constant 96 : index
        %get3A_993 = tpu.vector_load %arg10[%get3A_991, %get3A_992] {strides = array<i32>} : memref<80x128xf32, #tpu.memory_space<vmem>>, vector<1x16xf32>,
        %get3A_994 = vector.shape_cast %get3A_993 : vector<1x16xf32> to vector<16xf32>
        %mul3A_995 = arith.mulf %get3A_994, %gather3A_926 : vector<16xf32>
        %swap3A_996 = arith.index_cast %add3A_930 : i32 to index
        %swap3A_997 = arith.constant 96 : index
        %swap3A_998 = tpu.vector_load %arg10[%swap3A_996, %swap3A_997] {strides = array<i32>} : memref<80x128xf32, #tpu.memory_space<vmem>>, vector<1x16xf32>,
        %swap3A_999 = vector.shape_cast %swap3A_998 : vector<1x16xf32> to vector<16xf32>
        %swap3A_1000 = vector.shape_cast %mul3A_995 : vector<16xf32> to vector<1x16xf32>
        tpu.vector_store %arg10[%swap3A_996, %swap3A_997], %swap3A_1000 {strides = array<i32>} : memref<80x128xf32, #tpu.memory_space<vmem>>, vector<1x16xf32>,
        %get3A_1001 = arith.index_cast %add3A_930 : i32 to index
        %get3A_1002 = arith.constant 112 : index
        %get3A_1003 = tpu.vector_load %arg10[%get3A_1001, %get3A_1002] {strides = array<i32>} : memref<80x128xf32, #tpu.memory_space<vmem>>, vector<1x16xf32>,
        %get3A_1004 = vector.shape_cast %get3A_1003 : vector<1x16xf32> to vector<16xf32>
        %mul3A_1005 = arith.mulf %get3A_1004, %gather3A_926 : vector<16xf32>
        %swap3A_1006 = arith.index_cast %add3A_930 : i32 to index
        %swap3A_1007 = arith.constant 112 : index
        %swap3A_1008 = tpu.vector_load %arg10[%swap3A_1006, %swap3A_1007] {strides = array<i32>} : memref<80x128xf32, #tpu.memory_space<vmem>>, vector<1x16xf32>,
        %swap3A_1009 = vector.shape_cast %swap3A_1008 : vector<1x16xf32> to vector<16xf32>
        %swap3A_1010 = vector.shape_cast %mul3A_1005 : vector<16xf32> to vector<1x16xf32>
        tpu.vector_store %arg10[%swap3A_1006, %swap3A_1007], %swap3A_1010 {strides = array<i32>} : memref<80x128xf32, #tpu.memory_space<vmem>>, vector<1x16xf32>,
        %broadcast_in_dim3A_1011 = arith.constant 11 : i32
        %broadcast_in_dim3A_1012 = vector.broadcast %broadcast_in_dim3A_1011 : i32 to vector<16x1xi32>
        %gather3A_1013 = vector.shape_cast %broadcast_in_dim3A_1012 : vector<16x1xi32> to vector<16xi32>
        %gather3A_1014 = tpu.dynamic_gather %get3A_45[%gather3A_1013] in [0] : vector<16xf32>, vector<16xi32> -> vector<16xf32>
        %mul3A_1015 = arith.constant 16 : i32
        %mul3A_1016 = arith.muli %scan3A_41, %mul3A_1015 : i32
        %add3A_1017 = arith.constant 11 : i32
        %add3A_1018 = arith.addi %mul3A_1016, %add3A_1017 : i32
        %get3A_1019 = arith.index_cast %add3A_1018 : i32 to index
        %get3A_1020 = arith.constant 0 : index
        %get3A_1021 = tpu.vector_load %arg10[%get3A_1019, %get3A_1020] {strides = array<i32>} : memref<80x128xf32, #tpu.memory_space<vmem>>, vector<1x16xf32>,
        %get3A_1022 = vector.shape_cast %get3A_1021 : vector<1x16xf32> to vector<16xf32>
        %mul3A_1023 = arith.mulf %get3A_1022, %gather3A_1014 : vector<16xf32>
        %swap3A_1024 = arith.index_cast %add3A_1018 : i32 to index
        %swap3A_1025 = arith.constant 0 : index
        %swap3A_1026 = tpu.vector_load %arg10[%swap3A_1024, %swap3A_1025] {strides = array<i32>} : memref<80x128xf32, #tpu.memory_space<vmem>>, vector<1x16xf32>,
        %swap3A_1027 = vector.shape_cast %swap3A_1026 : vector<1x16xf32> to vector<16xf32>
        %swap3A_1028 = vector.shape_cast %mul3A_1023 : vector<16xf32> to vector<1x16xf32>
        tpu.vector_store %arg10[%swap3A_1024, %swap3A_1025], %swap3A_1028 {strides = array<i32>} : memref<80x128xf32, #tpu.memory_space<vmem>>, vector<1x16xf32>,
        %get3A_1029 = arith.index_cast %add3A_1018 : i32 to index
        %get3A_1030 = arith.constant 16 : index
        %get3A_1031 = tpu.vector_load %arg10[%get3A_1029, %get3A_1030] {strides = array<i32>} : memref<80x128xf32, #tpu.memory_space<vmem>>, vector<1x16xf32>,
        %get3A_1032 = vector.shape_cast %get3A_1031 : vector<1x16xf32> to vector<16xf32>
        %mul3A_1033 = arith.mulf %get3A_1032, %gather3A_1014 : vector<16xf32>
        %swap3A_1034 = arith.index_cast %add3A_1018 : i32 to index
        %swap3A_1035 = arith.constant 16 : index
        %swap3A_1036 = tpu.vector_load %arg10[%swap3A_1034, %swap3A_1035] {strides = array<i32>} : memref<80x128xf32, #tpu.memory_space<vmem>>, vector<1x16xf32>,
        %swap3A_1037 = vector.shape_cast %swap3A_1036 : vector<1x16xf32> to vector<16xf32>
        %swap3A_1038 = vector.shape_cast %mul3A_1033 : vector<16xf32> to vector<1x16xf32>
        tpu.vector_store %arg10[%swap3A_1034, %swap3A_1035], %swap3A_1038 {strides = array<i32>} : memref<80x128xf32, #tpu.memory_space<vmem>>, vector<1x16xf32>,
        %get3A_1039 = arith.index_cast %add3A_1018 : i32 to index
        %get3A_1040 = arith.constant 32 : index
        %get3A_1041 = tpu.vector_load %arg10[%get3A_1039, %get3A_1040] {strides = array<i32>} : memref<80x128xf32, #tpu.memory_space<vmem>>, vector<1x16xf32>,
        %get3A_1042 = vector.shape_cast %get3A_1041 : vector<1x16xf32> to vector<16xf32>
        %mul3A_1043 = arith.mulf %get3A_1042, %gather3A_1014 : vector<16xf32>
        %swap3A_1044 = arith.index_cast %add3A_1018 : i32 to index
        %swap3A_1045 = arith.constant 32 : index
        %swap3A_1046 = tpu.vector_load %arg10[%swap3A_1044, %swap3A_1045] {strides = array<i32>} : memref<80x128xf32, #tpu.memory_space<vmem>>, vector<1x16xf32>,
        %swap3A_1047 = vector.shape_cast %swap3A_1046 : vector<1x16xf32> to vector<16xf32>
        %swap3A_1048 = vector.shape_cast %mul3A_1043 : vector<16xf32> to vector<1x16xf32>
        tpu.vector_store %arg10[%swap3A_1044, %swap3A_1045], %swap3A_1048 {strides = array<i32>} : memref<80x128xf32, #tpu.memory_space<vmem>>, vector<1x16xf32>,
        %get3A_1049 = arith.index_cast %add3A_1018 : i32 to index
        %get3A_1050 = arith.constant 48 : index
        %get3A_1051 = tpu.vector_load %arg10[%get3A_1049, %get3A_1050] {strides = array<i32>} : memref<80x128xf32, #tpu.memory_space<vmem>>, vector<1x16xf32>,
        %get3A_1052 = vector.shape_cast %get3A_1051 : vector<1x16xf32> to vector<16xf32>
        %mul3A_1053 = arith.mulf %get3A_1052, %gather3A_1014 : vector<16xf32>
        %swap3A_1054 = arith.index_cast %add3A_1018 : i32 to index
        %swap3A_1055 = arith.constant 48 : index
        %swap3A_1056 = tpu.vector_load %arg10[%swap3A_1054, %swap3A_1055] {strides = array<i32>} : memref<80x128xf32, #tpu.memory_space<vmem>>, vector<1x16xf32>,
        %swap3A_1057 = vector.shape_cast %swap3A_1056 : vector<1x16xf32> to vector<16xf32>
        %swap3A_1058 = vector.shape_cast %mul3A_1053 : vector<16xf32> to vector<1x16xf32>
        tpu.vector_store %arg10[%swap3A_1054, %swap3A_1055], %swap3A_1058 {strides = array<i32>} : memref<80x128xf32, #tpu.memory_space<vmem>>, vector<1x16xf32>,
        %get3A_1059 = arith.index_cast %add3A_1018 : i32 to index
        %get3A_1060 = arith.constant 64 : index
        %get3A_1061 = tpu.vector_load %arg10[%get3A_1059, %get3A_1060] {strides = array<i32>} : memref<80x128xf32, #tpu.memory_space<vmem>>, vector<1x16xf32>,
        %get3A_1062 = vector.shape_cast %get3A_1061 : vector<1x16xf32> to vector<16xf32>
        %mul3A_1063 = arith.mulf %get3A_1062, %gather3A_1014 : vector<16xf32>
        %swap3A_1064 = arith.index_cast %add3A_1018 : i32 to index
        %swap3A_1065 = arith.constant 64 : index
        %swap3A_1066 = tpu.vector_load %arg10[%swap3A_1064, %swap3A_1065] {strides = array<i32>} : memref<80x128xf32, #tpu.memory_space<vmem>>, vector<1x16xf32>,
        %swap3A_1067 = vector.shape_cast %swap3A_1066 : vector<1x16xf32> to vector<16xf32>
        %swap3A_1068 = vector.shape_cast %mul3A_1063 : vector<16xf32> to vector<1x16xf32>
        tpu.vector_store %arg10[%swap3A_1064, %swap3A_1065], %swap3A_1068 {strides = array<i32>} : memref<80x128xf32, #tpu.memory_space<vmem>>, vector<1x16xf32>,
        %get3A_1069 = arith.index_cast %add3A_1018 : i32 to index
        %get3A_1070 = arith.constant 80 : index
        %get3A_1071 = tpu.vector_load %arg10[%get3A_1069, %get3A_1070] {strides = array<i32>} : memref<80x128xf32, #tpu.memory_space<vmem>>, vector<1x16xf32>,
        %get3A_1072 = vector.shape_cast %get3A_1071 : vector<1x16xf32> to vector<16xf32>
        %mul3A_1073 = arith.mulf %get3A_1072, %gather3A_1014 : vector<16xf32>
        %swap3A_1074 = arith.index_cast %add3A_1018 : i32 to index
        %swap3A_1075 = arith.constant 80 : index
        %swap3A_1076 = tpu.vector_load %arg10[%swap3A_1074, %swap3A_1075] {strides = array<i32>} : memref<80x128xf32, #tpu.memory_space<vmem>>, vector<1x16xf32>,
        %swap3A_1077 = vector.shape_cast %swap3A_1076 : vector<1x16xf32> to vector<16xf32>
        %swap3A_1078 = vector.shape_cast %mul3A_1073 : vector<16xf32> to vector<1x16xf32>
        tpu.vector_store %arg10[%swap3A_1074, %swap3A_1075], %swap3A_1078 {strides = array<i32>} : memref<80x128xf32, #tpu.memory_space<vmem>>, vector<1x16xf32>,
        %get3A_1079 = arith.index_cast %add3A_1018 : i32 to index
        %get3A_1080 = arith.constant 96 : index
        %get3A_1081 = tpu.vector_load %arg10[%get3A_1079, %get3A_1080] {strides = array<i32>} : memref<80x128xf32, #tpu.memory_space<vmem>>, vector<1x16xf32>,
        %get3A_1082 = vector.shape_cast %get3A_1081 : vector<1x16xf32> to vector<16xf32>
        %mul3A_1083 = arith.mulf %get3A_1082, %gather3A_1014 : vector<16xf32>
        %swap3A_1084 = arith.index_cast %add3A_1018 : i32 to index
        %swap3A_1085 = arith.constant 96 : index
        %swap3A_1086 = tpu.vector_load %arg10[%swap3A_1084, %swap3A_1085] {strides = array<i32>} : memref<80x128xf32, #tpu.memory_space<vmem>>, vector<1x16xf32>,
        %swap3A_1087 = vector.shape_cast %swap3A_1086 : vector<1x16xf32> to vector<16xf32>
        %swap3A_1088 = vector.shape_cast %mul3A_1083 : vector<16xf32> to vector<1x16xf32>
        tpu.vector_store %arg10[%swap3A_1084, %swap3A_1085], %swap3A_1088 {strides = array<i32>} : memref<80x128xf32, #tpu.memory_space<vmem>>, vector<1x16xf32>,
        %get3A_1089 = arith.index_cast %add3A_1018 : i32 to index
        %get3A_1090 = arith.constant 112 : index
        %get3A_1091 = tpu.vector_load %arg10[%get3A_1089, %get3A_1090] {strides = array<i32>} : memref<80x128xf32, #tpu.memory_space<vmem>>, vector<1x16xf32>,
        %get3A_1092 = vector.shape_cast %get3A_1091 : vector<1x16xf32> to vector<16xf32>
        %mul3A_1093 = arith.mulf %get3A_1092, %gather3A_1014 : vector<16xf32>
        %swap3A_1094 = arith.index_cast %add3A_1018 : i32 to index
        %swap3A_1095 = arith.constant 112 : index
        %swap3A_1096 = tpu.vector_load %arg10[%swap3A_1094, %swap3A_1095] {strides = array<i32>} : memref<80x128xf32, #tpu.memory_space<vmem>>, vector<1x16xf32>,
        %swap3A_1097 = vector.shape_cast %swap3A_1096 : vector<1x16xf32> to vector<16xf32>
        %swap3A_1098 = vector.shape_cast %mul3A_1093 : vector<16xf32> to vector<1x16xf32>
        tpu.vector_store %arg10[%swap3A_1094, %swap3A_1095], %swap3A_1098 {strides = array<i32>} : memref<80x128xf32, #tpu.memory_space<vmem>>, vector<1x16xf32>,
        %broadcast_in_dim3A_1099 = arith.constant 12 : i32
        %broadcast_in_dim3A_1100 = vector.broadcast %broadcast_in_dim3A_1099 : i32 to vector<16x1xi32>
        %gather3A_1101 = vector.shape_cast %broadcast_in_dim3A_1100 : vector<16x1xi32> to vector<16xi32>
        %gather3A_1102 = tpu.dynamic_gather %get3A_45[%gather3A_1101] in [0] : vector<16xf32>, vector<16xi32> -> vector<16xf32>
        %mul3A_1103 = arith.constant 16 : i32
        %mul3A_1104 = arith.muli %scan3A_41, %mul3A_1103 : i32
        %add3A_1105 = arith.constant 12 : i32
        %add3A_1106 = arith.addi %mul3A_1104, %add3A_1105 : i32
        %get3A_1107 = arith.index_cast %add3A_1106 : i32 to index
        %get3A_1108 = arith.constant 0 : index
        %get3A_1109 = tpu.vector_load %arg10[%get3A_1107, %get3A_1108] {strides = array<i32>} : memref<80x128xf32, #tpu.memory_space<vmem>>, vector<1x16xf32>,
        %get3A_1110 = vector.shape_cast %get3A_1109 : vector<1x16xf32> to vector<16xf32>
        %mul3A_1111 = arith.mulf %get3A_1110, %gather3A_1102 : vector<16xf32>
        %swap3A_1112 = arith.index_cast %add3A_1106 : i32 to index
        %swap3A_1113 = arith.constant 0 : index
        %swap3A_1114 = tpu.vector_load %arg10[%swap3A_1112, %swap3A_1113] {strides = array<i32>} : memref<80x128xf32, #tpu.memory_space<vmem>>, vector<1x16xf32>,
        %swap3A_1115 = vector.shape_cast %swap3A_1114 : vector<1x16xf32> to vector<16xf32>
        %swap3A_1116 = vector.shape_cast %mul3A_1111 : vector<16xf32> to vector<1x16xf32>
        tpu.vector_store %arg10[%swap3A_1112, %swap3A_1113], %swap3A_1116 {strides = array<i32>} : memref<80x128xf32, #tpu.memory_space<vmem>>, vector<1x16xf32>,
        %get3A_1117 = arith.index_cast %add3A_1106 : i32 to index
        %get3A_1118 = arith.constant 16 : index
        %get3A_1119 = tpu.vector_load %arg10[%get3A_1117, %get3A_1118] {strides = array<i32>} : memref<80x128xf32, #tpu.memory_space<vmem>>, vector<1x16xf32>,
        %get3A_1120 = vector.shape_cast %get3A_1119 : vector<1x16xf32> to vector<16xf32>
        %mul3A_1121 = arith.mulf %get3A_1120, %gather3A_1102 : vector<16xf32>
        %swap3A_1122 = arith.index_cast %add3A_1106 : i32 to index
        %swap3A_1123 = arith.constant 16 : index
        %swap3A_1124 = tpu.vector_load %arg10[%swap3A_1122, %swap3A_1123] {strides = array<i32>} : memref<80x128xf32, #tpu.memory_space<vmem>>, vector<1x16xf32>,
        %swap3A_1125 = vector.shape_cast %swap3A_1124 : vector<1x16xf32> to vector<16xf32>
        %swap3A_1126 = vector.shape_cast %mul3A_1121 : vector<16xf32> to vector<1x16xf32>
        tpu.vector_store %arg10[%swap3A_1122, %swap3A_1123], %swap3A_1126 {strides = array<i32>} : memref<80x128xf32, #tpu.memory_space<vmem>>, vector<1x16xf32>,
        %get3A_1127 = arith.index_cast %add3A_1106 : i32 to index
        %get3A_1128 = arith.constant 32 : index
        %get3A_1129 = tpu.vector_load %arg10[%get3A_1127, %get3A_1128] {strides = array<i32>} : memref<80x128xf32, #tpu.memory_space<vmem>>, vector<1x16xf32>,
        %get3A_1130 = vector.shape_cast %get3A_1129 : vector<1x16xf32> to vector<16xf32>
        %mul3A_1131 = arith.mulf %get3A_1130, %gather3A_1102 : vector<16xf32>
        %swap3A_1132 = arith.index_cast %add3A_1106 : i32 to index
        %swap3A_1133 = arith.constant 32 : index
        %swap3A_1134 = tpu.vector_load %arg10[%swap3A_1132, %swap3A_1133] {strides = array<i32>} : memref<80x128xf32, #tpu.memory_space<vmem>>, vector<1x16xf32>,
        %swap3A_1135 = vector.shape_cast %swap3A_1134 : vector<1x16xf32> to vector<16xf32>
        %swap3A_1136 = vector.shape_cast %mul3A_1131 : vector<16xf32> to vector<1x16xf32>
        tpu.vector_store %arg10[%swap3A_1132, %swap3A_1133], %swap3A_1136 {strides = array<i32>} : memref<80x128xf32, #tpu.memory_space<vmem>>, vector<1x16xf32>,
        %get3A_1137 = arith.index_cast %add3A_1106 : i32 to index
        %get3A_1138 = arith.constant 48 : index
        %get3A_1139 = tpu.vector_load %arg10[%get3A_1137, %get3A_1138] {strides = array<i32>} : memref<80x128xf32, #tpu.memory_space<vmem>>, vector<1x16xf32>,
        %get3A_1140 = vector.shape_cast %get3A_1139 : vector<1x16xf32> to vector<16xf32>
        %mul3A_1141 = arith.mulf %get3A_1140, %gather3A_1102 : vector<16xf32>
        %swap3A_1142 = arith.index_cast %add3A_1106 : i32 to index
        %swap3A_1143 = arith.constant 48 : index
        %swap3A_1144 = tpu.vector_load %arg10[%swap3A_1142, %swap3A_1143] {strides = array<i32>} : memref<80x128xf32, #tpu.memory_space<vmem>>, vector<1x16xf32>,
        %swap3A_1145 = vector.shape_cast %swap3A_1144 : vector<1x16xf32> to vector<16xf32>
        %swap3A_1146 = vector.shape_cast %mul3A_1141 : vector<16xf32> to vector<1x16xf32>
        tpu.vector_store %arg10[%swap3A_1142, %swap3A_1143], %swap3A_1146 {strides = array<i32>} : memref<80x128xf32, #tpu.memory_space<vmem>>, vector<1x16xf32>,
        %get3A_1147 = arith.index_cast %add3A_1106 : i32 to index
        %get3A_1148 = arith.constant 64 : index
        %get3A_1149 = tpu.vector_load %arg10[%get3A_1147, %get3A_1148] {strides = array<i32>} : memref<80x128xf32, #tpu.memory_space<vmem>>, vector<1x16xf32>,
        %get3A_1150 = vector.shape_cast %get3A_1149 : vector<1x16xf32> to vector<16xf32>
        %mul3A_1151 = arith.mulf %get3A_1150, %gather3A_1102 : vector<16xf32>
        %swap3A_1152 = arith.index_cast %add3A_1106 : i32 to index
        %swap3A_1153 = arith.constant 64 : index
        %swap3A_1154 = tpu.vector_load %arg10[%swap3A_1152, %swap3A_1153] {strides = array<i32>} : memref<80x128xf32, #tpu.memory_space<vmem>>, vector<1x16xf32>,
        %swap3A_1155 = vector.shape_cast %swap3A_1154 : vector<1x16xf32> to vector<16xf32>
        %swap3A_1156 = vector.shape_cast %mul3A_1151 : vector<16xf32> to vector<1x16xf32>
        tpu.vector_store %arg10[%swap3A_1152, %swap3A_1153], %swap3A_1156 {strides = array<i32>} : memref<80x128xf32, #tpu.memory_space<vmem>>, vector<1x16xf32>,
        %get3A_1157 = arith.index_cast %add3A_1106 : i32 to index
        %get3A_1158 = arith.constant 80 : index
        %get3A_1159 = tpu.vector_load %arg10[%get3A_1157, %get3A_1158] {strides = array<i32>} : memref<80x128xf32, #tpu.memory_space<vmem>>, vector<1x16xf32>,
        %get3A_1160 = vector.shape_cast %get3A_1159 : vector<1x16xf32> to vector<16xf32>
        %mul3A_1161 = arith.mulf %get3A_1160, %gather3A_1102 : vector<16xf32>
        %swap3A_1162 = arith.index_cast %add3A_1106 : i32 to index
        %swap3A_1163 = arith.constant 80 : index
        %swap3A_1164 = tpu.vector_load %arg10[%swap3A_1162, %swap3A_1163] {strides = array<i32>} : memref<80x128xf32, #tpu.memory_space<vmem>>, vector<1x16xf32>,
        %swap3A_1165 = vector.shape_cast %swap3A_1164 : vector<1x16xf32> to vector<16xf32>
        %swap3A_1166 = vector.shape_cast %mul3A_1161 : vector<16xf32> to vector<1x16xf32>
        tpu.vector_store %arg10[%swap3A_1162, %swap3A_1163], %swap3A_1166 {strides = array<i32>} : memref<80x128xf32, #tpu.memory_space<vmem>>, vector<1x16xf32>,
        %get3A_1167 = arith.index_cast %add3A_1106 : i32 to index
        %get3A_1168 = arith.constant 96 : index
        %get3A_1169 = tpu.vector_load %arg10[%get3A_1167, %get3A_1168] {strides = array<i32>} : memref<80x128xf32, #tpu.memory_space<vmem>>, vector<1x16xf32>,
        %get3A_1170 = vector.shape_cast %get3A_1169 : vector<1x16xf32> to vector<16xf32>
        %mul3A_1171 = arith.mulf %get3A_1170, %gather3A_1102 : vector<16xf32>
        %swap3A_1172 = arith.index_cast %add3A_1106 : i32 to index
        %swap3A_1173 = arith.constant 96 : index
        %swap3A_1174 = tpu.vector_load %arg10[%swap3A_1172, %swap3A_1173] {strides = array<i32>} : memref<80x128xf32, #tpu.memory_space<vmem>>, vector<1x16xf32>,
        %swap3A_1175 = vector.shape_cast %swap3A_1174 : vector<1x16xf32> to vector<16xf32>
        %swap3A_1176 = vector.shape_cast %mul3A_1171 : vector<16xf32> to vector<1x16xf32>
        tpu.vector_store %arg10[%swap3A_1172, %swap3A_1173], %swap3A_1176 {strides = array<i32>} : memref<80x128xf32, #tpu.memory_space<vmem>>, vector<1x16xf32>,
        %get3A_1177 = arith.index_cast %add3A_1106 : i32 to index
        %get3A_1178 = arith.constant 112 : index
        %get3A_1179 = tpu.vector_load %arg10[%get3A_1177, %get3A_1178] {strides = array<i32>} : memref<80x128xf32, #tpu.memory_space<vmem>>, vector<1x16xf32>,
        %get3A_1180 = vector.shape_cast %get3A_1179 : vector<1x16xf32> to vector<16xf32>
        %mul3A_1181 = arith.mulf %get3A_1180, %gather3A_1102 : vector<16xf32>
        %swap3A_1182 = arith.index_cast %add3A_1106 : i32 to index
        %swap3A_1183 = arith.constant 112 : index
        %swap3A_1184 = tpu.vector_load %arg10[%swap3A_1182, %swap3A_1183] {strides = array<i32>} : memref<80x128xf32, #tpu.memory_space<vmem>>, vector<1x16xf32>,
        %swap3A_1185 = vector.shape_cast %swap3A_1184 : vector<1x16xf32> to vector<16xf32>
        %swap3A_1186 = vector.shape_cast %mul3A_1181 : vector<16xf32> to vector<1x16xf32>
        tpu.vector_store %arg10[%swap3A_1182, %swap3A_1183], %swap3A_1186 {strides = array<i32>} : memref<80x128xf32, #tpu.memory_space<vmem>>, vector<1x16xf32>,
        %broadcast_in_dim3A_1187 = arith.constant 13 : i32
        %broadcast_in_dim3A_1188 = vector.broadcast %broadcast_in_dim3A_1187 : i32 to vector<16x1xi32>
        %gather3A_1189 = vector.shape_cast %broadcast_in_dim3A_1188 : vector<16x1xi32> to vector<16xi32>
        %gather3A_1190 = tpu.dynamic_gather %get3A_45[%gather3A_1189] in [0] : vector<16xf32>, vector<16xi32> -> vector<16xf32>
        %mul3A_1191 = arith.constant 16 : i32
        %mul3A_1192 = arith.muli %scan3A_41, %mul3A_1191 : i32
        %add3A_1193 = arith.constant 13 : i32
        %add3A_1194 = arith.addi %mul3A_1192, %add3A_1193 : i32
        %get3A_1195 = arith.index_cast %add3A_1194 : i32 to index
        %get3A_1196 = arith.constant 0 : index
        %get3A_1197 = tpu.vector_load %arg10[%get3A_1195, %get3A_1196] {strides = array<i32>} : memref<80x128xf32, #tpu.memory_space<vmem>>, vector<1x16xf32>,
        %get3A_1198 = vector.shape_cast %get3A_1197 : vector<1x16xf32> to vector<16xf32>
        %mul3A_1199 = arith.mulf %get3A_1198, %gather3A_1190 : vector<16xf32>
        %swap3A_1200 = arith.index_cast %add3A_1194 : i32 to index
        %swap3A_1201 = arith.constant 0 : index
        %swap3A_1202 = tpu.vector_load %arg10[%swap3A_1200, %swap3A_1201] {strides = array<i32>} : memref<80x128xf32, #tpu.memory_space<vmem>>, vector<1x16xf32>,
        %swap3A_1203 = vector.shape_cast %swap3A_1202 : vector<1x16xf32> to vector<16xf32>
        %swap3A_1204 = vector.shape_cast %mul3A_1199 : vector<16xf32> to vector<1x16xf32>
        tpu.vector_store %arg10[%swap3A_1200, %swap3A_1201], %swap3A_1204 {strides = array<i32>} : memref<80x128xf32, #tpu.memory_space<vmem>>, vector<1x16xf32>,
        %get3A_1205 = arith.index_cast %add3A_1194 : i32 to index
        %get3A_1206 = arith.constant 16 : index
        %get3A_1207 = tpu.vector_load %arg10[%get3A_1205, %get3A_1206] {strides = array<i32>} : memref<80x128xf32, #tpu.memory_space<vmem>>, vector<1x16xf32>,
        %get3A_1208 = vector.shape_cast %get3A_1207 : vector<1x16xf32> to vector<16xf32>
        %mul3A_1209 = arith.mulf %get3A_1208, %gather3A_1190 : vector<16xf32>
        %swap3A_1210 = arith.index_cast %add3A_1194 : i32 to index
        %swap3A_1211 = arith.constant 16 : index
        %swap3A_1212 = tpu.vector_load %arg10[%swap3A_1210, %swap3A_1211] {strides = array<i32>} : memref<80x128xf32, #tpu.memory_space<vmem>>, vector<1x16xf32>,
        %swap3A_1213 = vector.shape_cast %swap3A_1212 : vector<1x16xf32> to vector<16xf32>
        %swap3A_1214 = vector.shape_cast %mul3A_1209 : vector<16xf32> to vector<1x16xf32>
        tpu.vector_store %arg10[%swap3A_1210, %swap3A_1211], %swap3A_1214 {strides = array<i32>} : memref<80x128xf32, #tpu.memory_space<vmem>>, vector<1x16xf32>,
        %get3A_1215 = arith.index_cast %add3A_1194 : i32 to index
        %get3A_1216 = arith.constant 32 : index
        %get3A_1217 = tpu.vector_load %arg10[%get3A_1215, %get3A_1216] {strides = array<i32>} : memref<80x128xf32, #tpu.memory_space<vmem>>, vector<1x16xf32>,
        %get3A_1218 = vector.shape_cast %get3A_1217 : vector<1x16xf32> to vector<16xf32>
        %mul3A_1219 = arith.mulf %get3A_1218, %gather3A_1190 : vector<16xf32>
        %swap3A_1220 = arith.index_cast %add3A_1194 : i32 to index
        %swap3A_1221 = arith.constant 32 : index
        %swap3A_1222 = tpu.vector_load %arg10[%swap3A_1220, %swap3A_1221] {strides = array<i32>} : memref<80x128xf32, #tpu.memory_space<vmem>>, vector<1x16xf32>,
        %swap3A_1223 = vector.shape_cast %swap3A_1222 : vector<1x16xf32> to vector<16xf32>
        %swap3A_1224 = vector.shape_cast %mul3A_1219 : vector<16xf32> to vector<1x16xf32>
        tpu.vector_store %arg10[%swap3A_1220, %swap3A_1221], %swap3A_1224 {strides = array<i32>} : memref<80x128xf32, #tpu.memory_space<vmem>>, vector<1x16xf32>,
        %get3A_1225 = arith.index_cast %add3A_1194 : i32 to index
        %get3A_1226 = arith.constant 48 : index
        %get3A_1227 = tpu.vector_load %arg10[%get3A_1225, %get3A_1226] {strides = array<i32>} : memref<80x128xf32, #tpu.memory_space<vmem>>, vector<1x16xf32>,
        %get3A_1228 = vector.shape_cast %get3A_1227 : vector<1x16xf32> to vector<16xf32>
        %mul3A_1229 = arith.mulf %get3A_1228, %gather3A_1190 : vector<16xf32>
        %swap3A_1230 = arith.index_cast %add3A_1194 : i32 to index
        %swap3A_1231 = arith.constant 48 : index
        %swap3A_1232 = tpu.vector_load %arg10[%swap3A_1230, %swap3A_1231] {strides = array<i32>} : memref<80x128xf32, #tpu.memory_space<vmem>>, vector<1x16xf32>,
        %swap3A_1233 = vector.shape_cast %swap3A_1232 : vector<1x16xf32> to vector<16xf32>
        %swap3A_1234 = vector.shape_cast %mul3A_1229 : vector<16xf32> to vector<1x16xf32>
        tpu.vector_store %arg10[%swap3A_1230, %swap3A_1231], %swap3A_1234 {strides = array<i32>} : memref<80x128xf32, #tpu.memory_space<vmem>>, vector<1x16xf32>,
        %get3A_1235 = arith.index_cast %add3A_1194 : i32 to index
        %get3A_1236 = arith.constant 64 : index
        %get3A_1237 = tpu.vector_load %arg10[%get3A_1235, %get3A_1236] {strides = array<i32>} : memref<80x128xf32, #tpu.memory_space<vmem>>, vector<1x16xf32>,
        %get3A_1238 = vector.shape_cast %get3A_1237 : vector<1x16xf32> to vector<16xf32>
        %mul3A_1239 = arith.mulf %get3A_1238, %gather3A_1190 : vector<16xf32>
        %swap3A_1240 = arith.index_cast %add3A_1194 : i32 to index
        %swap3A_1241 = arith.constant 64 : index
        %swap3A_1242 = tpu.vector_load %arg10[%swap3A_1240, %swap3A_1241] {strides = array<i32>} : memref<80x128xf32, #tpu.memory_space<vmem>>, vector<1x16xf32>,
        %swap3A_1243 = vector.shape_cast %swap3A_1242 : vector<1x16xf32> to vector<16xf32>
        %swap3A_1244 = vector.shape_cast %mul3A_1239 : vector<16xf32> to vector<1x16xf32>
        tpu.vector_store %arg10[%swap3A_1240, %swap3A_1241], %swap3A_1244 {strides = array<i32>} : memref<80x128xf32, #tpu.memory_space<vmem>>, vector<1x16xf32>,
        %get3A_1245 = arith.index_cast %add3A_1194 : i32 to index
        %get3A_1246 = arith.constant 80 : index
        %get3A_1247 = tpu.vector_load %arg10[%get3A_1245, %get3A_1246] {strides = array<i32>} : memref<80x128xf32, #tpu.memory_space<vmem>>, vector<1x16xf32>,
        %get3A_1248 = vector.shape_cast %get3A_1247 : vector<1x16xf32> to vector<16xf32>
        %mul3A_1249 = arith.mulf %get3A_1248, %gather3A_1190 : vector<16xf32>
        %swap3A_1250 = arith.index_cast %add3A_1194 : i32 to index
        %swap3A_1251 = arith.constant 80 : index
        %swap3A_1252 = tpu.vector_load %arg10[%swap3A_1250, %swap3A_1251] {strides = array<i32>} : memref<80x128xf32, #tpu.memory_space<vmem>>, vector<1x16xf32>,
        %swap3A_1253 = vector.shape_cast %swap3A_1252 : vector<1x16xf32> to vector<16xf32>
        %swap3A_1254 = vector.shape_cast %mul3A_1249 : vector<16xf32> to vector<1x16xf32>
        tpu.vector_store %arg10[%swap3A_1250, %swap3A_1251], %swap3A_1254 {strides = array<i32>} : memref<80x128xf32, #tpu.memory_space<vmem>>, vector<1x16xf32>,
        %get3A_1255 = arith.index_cast %add3A_1194 : i32 to index
        %get3A_1256 = arith.constant 96 : index
        %get3A_1257 = tpu.vector_load %arg10[%get3A_1255, %get3A_1256] {strides = array<i32>} : memref<80x128xf32, #tpu.memory_space<vmem>>, vector<1x16xf32>,
        %get3A_1258 = vector.shape_cast %get3A_1257 : vector<1x16xf32> to vector<16xf32>
        %mul3A_1259 = arith.mulf %get3A_1258, %gather3A_1190 : vector<16xf32>
        %swap3A_1260 = arith.index_cast %add3A_1194 : i32 to index
        %swap3A_1261 = arith.constant 96 : index
        %swap3A_1262 = tpu.vector_load %arg10[%swap3A_1260, %swap3A_1261] {strides = array<i32>} : memref<80x128xf32, #tpu.memory_space<vmem>>, vector<1x16xf32>,
        %swap3A_1263 = vector.shape_cast %swap3A_1262 : vector<1x16xf32> to vector<16xf32>
        %swap3A_1264 = vector.shape_cast %mul3A_1259 : vector<16xf32> to vector<1x16xf32>
        tpu.vector_store %arg10[%swap3A_1260, %swap3A_1261], %swap3A_1264 {strides = array<i32>} : memref<80x128xf32, #tpu.memory_space<vmem>>, vector<1x16xf32>,
        %get3A_1265 = arith.index_cast %add3A_1194 : i32 to index
        %get3A_1266 = arith.constant 112 : index
        %get3A_1267 = tpu.vector_load %arg10[%get3A_1265, %get3A_1266] {strides = array<i32>} : memref<80x128xf32, #tpu.memory_space<vmem>>, vector<1x16xf32>,
        %get3A_1268 = vector.shape_cast %get3A_1267 : vector<1x16xf32> to vector<16xf32>
        %mul3A_1269 = arith.mulf %get3A_1268, %gather3A_1190 : vector<16xf32>
        %swap3A_1270 = arith.index_cast %add3A_1194 : i32 to index
        %swap3A_1271 = arith.constant 112 : index
        %swap3A_1272 = tpu.vector_load %arg10[%swap3A_1270, %swap3A_1271] {strides = array<i32>} : memref<80x128xf32, #tpu.memory_space<vmem>>, vector<1x16xf32>,
        %swap3A_1273 = vector.shape_cast %swap3A_1272 : vector<1x16xf32> to vector<16xf32>
        %swap3A_1274 = vector.shape_cast %mul3A_1269 : vector<16xf32> to vector<1x16xf32>
        tpu.vector_store %arg10[%swap3A_1270, %swap3A_1271], %swap3A_1274 {strides = array<i32>} : memref<80x128xf32, #tpu.memory_space<vmem>>, vector<1x16xf32>,
        %broadcast_in_dim3A_1275 = arith.constant 14 : i32
        %broadcast_in_dim3A_1276 = vector.broadcast %broadcast_in_dim3A_1275 : i32 to vector<16x1xi32>
        %gather3A_1277 = vector.shape_cast %broadcast_in_dim3A_1276 : vector<16x1xi32> to vector<16xi32>
        %gather3A_1278 = tpu.dynamic_gather %get3A_45[%gather3A_1277] in [0] : vector<16xf32>, vector<16xi32> -> vector<16xf32>
        %mul3A_1279 = arith.constant 16 : i32
        %mul3A_1280 = arith.muli %scan3A_41, %mul3A_1279 : i32
        %add3A_1281 = arith.constant 14 : i32
        %add3A_1282 = arith.addi %mul3A_1280, %add3A_1281 : i32
        %get3A_1283 = arith.index_cast %add3A_1282 : i32 to index
        %get3A_1284 = arith.constant 0 : index
        %get3A_1285 = tpu.vector_load %arg10[%get3A_1283, %get3A_1284] {strides = array<i32>} : memref<80x128xf32, #tpu.memory_space<vmem>>, vector<1x16xf32>,
        %get3A_1286 = vector.shape_cast %get3A_1285 : vector<1x16xf32> to vector<16xf32>
        %mul3A_1287 = arith.mulf %get3A_1286, %gather3A_1278 : vector<16xf32>
        %swap3A_1288 = arith.index_cast %add3A_1282 : i32 to index
        %swap3A_1289 = arith.constant 0 : index
        %swap3A_1290 = tpu.vector_load %arg10[%swap3A_1288, %swap3A_1289] {strides = array<i32>} : memref<80x128xf32, #tpu.memory_space<vmem>>, vector<1x16xf32>,
        %swap3A_1291 = vector.shape_cast %swap3A_1290 : vector<1x16xf32> to vector<16xf32>
        %swap3A_1292 = vector.shape_cast %mul3A_1287 : vector<16xf32> to vector<1x16xf32>
        tpu.vector_store %arg10[%swap3A_1288, %swap3A_1289], %swap3A_1292 {strides = array<i32>} : memref<80x128xf32, #tpu.memory_space<vmem>>, vector<1x16xf32>,
        %get3A_1293 = arith.index_cast %add3A_1282 : i32 to index
        %get3A_1294 = arith.constant 16 : index
        %get3A_1295 = tpu.vector_load %arg10[%get3A_1293, %get3A_1294] {strides = array<i32>} : memref<80x128xf32, #tpu.memory_space<vmem>>, vector<1x16xf32>,
        %get3A_1296 = vector.shape_cast %get3A_1295 : vector<1x16xf32> to vector<16xf32>
        %mul3A_1297 = arith.mulf %get3A_1296, %gather3A_1278 : vector<16xf32>
        %swap3A_1298 = arith.index_cast %add3A_1282 : i32 to index
        %swap3A_1299 = arith.constant 16 : index
        %swap3A_1300 = tpu.vector_load %arg10[%swap3A_1298, %swap3A_1299] {strides = array<i32>} : memref<80x128xf32, #tpu.memory_space<vmem>>, vector<1x16xf32>,
        %swap3A_1301 = vector.shape_cast %swap3A_1300 : vector<1x16xf32> to vector<16xf32>
        %swap3A_1302 = vector.shape_cast %mul3A_1297 : vector<16xf32> to vector<1x16xf32>
        tpu.vector_store %arg10[%swap3A_1298, %swap3A_1299], %swap3A_1302 {strides = array<i32>} : memref<80x128xf32, #tpu.memory_space<vmem>>, vector<1x16xf32>,
        %get3A_1303 = arith.index_cast %add3A_1282 : i32 to index
        %get3A_1304 = arith.constant 32 : index
        %get3A_1305 = tpu.vector_load %arg10[%get3A_1303, %get3A_1304] {strides = array<i32>} : memref<80x128xf32, #tpu.memory_space<vmem>>, vector<1x16xf32>,
        %get3A_1306 = vector.shape_cast %get3A_1305 : vector<1x16xf32> to vector<16xf32>
        %mul3A_1307 = arith.mulf %get3A_1306, %gather3A_1278 : vector<16xf32>
        %swap3A_1308 = arith.index_cast %add3A_1282 : i32 to index
        %swap3A_1309 = arith.constant 32 : index
        %swap3A_1310 = tpu.vector_load %arg10[%swap3A_1308, %swap3A_1309] {strides = array<i32>} : memref<80x128xf32, #tpu.memory_space<vmem>>, vector<1x16xf32>,
        %swap3A_1311 = vector.shape_cast %swap3A_1310 : vector<1x16xf32> to vector<16xf32>
        %swap3A_1312 = vector.shape_cast %mul3A_1307 : vector<16xf32> to vector<1x16xf32>
        tpu.vector_store %arg10[%swap3A_1308, %swap3A_1309], %swap3A_1312 {strides = array<i32>} : memref<80x128xf32, #tpu.memory_space<vmem>>, vector<1x16xf32>,
        %get3A_1313 = arith.index_cast %add3A_1282 : i32 to index
        %get3A_1314 = arith.constant 48 : index
        %get3A_1315 = tpu.vector_load %arg10[%get3A_1313, %get3A_1314] {strides = array<i32>} : memref<80x128xf32, #tpu.memory_space<vmem>>, vector<1x16xf32>,
        %get3A_1316 = vector.shape_cast %get3A_1315 : vector<1x16xf32> to vector<16xf32>
        %mul3A_1317 = arith.mulf %get3A_1316, %gather3A_1278 : vector<16xf32>
        %swap3A_1318 = arith.index_cast %add3A_1282 : i32 to index
        %swap3A_1319 = arith.constant 48 : index
        %swap3A_1320 = tpu.vector_load %arg10[%swap3A_1318, %swap3A_1319] {strides = array<i32>} : memref<80x128xf32, #tpu.memory_space<vmem>>, vector<1x16xf32>,
        %swap3A_1321 = vector.shape_cast %swap3A_1320 : vector<1x16xf32> to vector<16xf32>
        %swap3A_1322 = vector.shape_cast %mul3A_1317 : vector<16xf32> to vector<1x16xf32>
        tpu.vector_store %arg10[%swap3A_1318, %swap3A_1319], %swap3A_1322 {strides = array<i32>} : memref<80x128xf32, #tpu.memory_space<vmem>>, vector<1x16xf32>,
        %get3A_1323 = arith.index_cast %add3A_1282 : i32 to index
        %get3A_1324 = arith.constant 64 : index
        %get3A_1325 = tpu.vector_load %arg10[%get3A_1323, %get3A_1324] {strides = array<i32>} : memref<80x128xf32, #tpu.memory_space<vmem>>, vector<1x16xf32>,
        %get3A_1326 = vector.shape_cast %get3A_1325 : vector<1x16xf32> to vector<16xf32>
        %mul3A_1327 = arith.mulf %get3A_1326, %gather3A_1278 : vector<16xf32>
        %swap3A_1328 = arith.index_cast %add3A_1282 : i32 to index
        %swap3A_1329 = arith.constant 64 : index
        %swap3A_1330 = tpu.vector_load %arg10[%swap3A_1328, %swap3A_1329] {strides = array<i32>} : memref<80x128xf32, #tpu.memory_space<vmem>>, vector<1x16xf32>,
        %swap3A_1331 = vector.shape_cast %swap3A_1330 : vector<1x16xf32> to vector<16xf32>
        %swap3A_1332 = vector.shape_cast %mul3A_1327 : vector<16xf32> to vector<1x16xf32>
        tpu.vector_store %arg10[%swap3A_1328, %swap3A_1329], %swap3A_1332 {strides = array<i32>} : memref<80x128xf32, #tpu.memory_space<vmem>>, vector<1x16xf32>,
        %get3A_1333 = arith.index_cast %add3A_1282 : i32 to index
        %get3A_1334 = arith.constant 80 : index
        %get3A_1335 = tpu.vector_load %arg10[%get3A_1333, %get3A_1334] {strides = array<i32>} : memref<80x128xf32, #tpu.memory_space<vmem>>, vector<1x16xf32>,
        %get3A_1336 = vector.shape_cast %get3A_1335 : vector<1x16xf32> to vector<16xf32>
        %mul3A_1337 = arith.mulf %get3A_1336, %gather3A_1278 : vector<16xf32>
        %swap3A_1338 = arith.index_cast %add3A_1282 : i32 to index
        %swap3A_1339 = arith.constant 80 : index
        %swap3A_1340 = tpu.vector_load %arg10[%swap3A_1338, %swap3A_1339] {strides = array<i32>} : memref<80x128xf32, #tpu.memory_space<vmem>>, vector<1x16xf32>,
        %swap3A_1341 = vector.shape_cast %swap3A_1340 : vector<1x16xf32> to vector<16xf32>
        %swap3A_1342 = vector.shape_cast %mul3A_1337 : vector<16xf32> to vector<1x16xf32>
        tpu.vector_store %arg10[%swap3A_1338, %swap3A_1339], %swap3A_1342 {strides = array<i32>} : memref<80x128xf32, #tpu.memory_space<vmem>>, vector<1x16xf32>,
        %get3A_1343 = arith.index_cast %add3A_1282 : i32 to index
        %get3A_1344 = arith.constant 96 : index
        %get3A_1345 = tpu.vector_load %arg10[%get3A_1343, %get3A_1344] {strides = array<i32>} : memref<80x128xf32, #tpu.memory_space<vmem>>, vector<1x16xf32>,
        %get3A_1346 = vector.shape_cast %get3A_1345 : vector<1x16xf32> to vector<16xf32>
        %mul3A_1347 = arith.mulf %get3A_1346, %gather3A_1278 : vector<16xf32>
        %swap3A_1348 = arith.index_cast %add3A_1282 : i32 to index
        %swap3A_1349 = arith.constant 96 : index
        %swap3A_1350 = tpu.vector_load %arg10[%swap3A_1348, %swap3A_1349] {strides = array<i32>} : memref<80x128xf32, #tpu.memory_space<vmem>>, vector<1x16xf32>,
        %swap3A_1351 = vector.shape_cast %swap3A_1350 : vector<1x16xf32> to vector<16xf32>
        %swap3A_1352 = vector.shape_cast %mul3A_1347 : vector<16xf32> to vector<1x16xf32>
        tpu.vector_store %arg10[%swap3A_1348, %swap3A_1349], %swap3A_1352 {strides = array<i32>} : memref<80x128xf32, #tpu.memory_space<vmem>>, vector<1x16xf32>,
        %get3A_1353 = arith.index_cast %add3A_1282 : i32 to index
        %get3A_1354 = arith.constant 112 : index
        %get3A_1355 = tpu.vector_load %arg10[%get3A_1353, %get3A_1354] {strides = array<i32>} : memref<80x128xf32, #tpu.memory_space<vmem>>, vector<1x16xf32>,
        %get3A_1356 = vector.shape_cast %get3A_1355 : vector<1x16xf32> to vector<16xf32>
        %mul3A_1357 = arith.mulf %get3A_1356, %gather3A_1278 : vector<16xf32>
        %swap3A_1358 = arith.index_cast %add3A_1282 : i32 to index
        %swap3A_1359 = arith.constant 112 : index
        %swap3A_1360 = tpu.vector_load %arg10[%swap3A_1358, %swap3A_1359] {strides = array<i32>} : memref<80x128xf32, #tpu.memory_space<vmem>>, vector<1x16xf32>,
        %swap3A_1361 = vector.shape_cast %swap3A_1360 : vector<1x16xf32> to vector<16xf32>
        %swap3A_1362 = vector.shape_cast %mul3A_1357 : vector<16xf32> to vector<1x16xf32>
        tpu.vector_store %arg10[%swap3A_1358, %swap3A_1359], %swap3A_1362 {strides = array<i32>} : memref<80x128xf32, #tpu.memory_space<vmem>>, vector<1x16xf32>,
        %broadcast_in_dim3A_1363 = arith.constant 15 : i32
        %broadcast_in_dim3A_1364 = vector.broadcast %broadcast_in_dim3A_1363 : i32 to vector<16x1xi32>
        %gather3A_1365 = vector.shape_cast %broadcast_in_dim3A_1364 : vector<16x1xi32> to vector<16xi32>
        %gather3A_1366 = tpu.dynamic_gather %get3A_45[%gather3A_1365] in [0] : vector<16xf32>, vector<16xi32> -> vector<16xf32>
        %mul3A_1367 = arith.constant 16 : i32
        %mul3A_1368 = arith.muli %scan3A_41, %mul3A_1367 : i32
        %add3A_1369 = arith.constant 15 : i32
        %add3A_1370 = arith.addi %mul3A_1368, %add3A_1369 : i32
        %get3A_1371 = arith.index_cast %add3A_1370 : i32 to index
        %get3A_1372 = arith.constant 0 : index
        %get3A_1373 = tpu.vector_load %arg10[%get3A_1371, %get3A_1372] {strides = array<i32>} : memref<80x128xf32, #tpu.memory_space<vmem>>, vector<1x16xf32>,
        %get3A_1374 = vector.shape_cast %get3A_1373 : vector<1x16xf32> to vector<16xf32>
        %mul3A_1375 = arith.mulf %get3A_1374, %gather3A_1366 : vector<16xf32>
        %swap3A_1376 = arith.index_cast %add3A_1370 : i32 to index
        %swap3A_1377 = arith.constant 0 : index
        %swap3A_1378 = tpu.vector_load %arg10[%swap3A_1376, %swap3A_1377] {strides = array<i32>} : memref<80x128xf32, #tpu.memory_space<vmem>>, vector<1x16xf32>,
        %swap3A_1379 = vector.shape_cast %swap3A_1378 : vector<1x16xf32> to vector<16xf32>
        %swap3A_1380 = vector.shape_cast %mul3A_1375 : vector<16xf32> to vector<1x16xf32>
        tpu.vector_store %arg10[%swap3A_1376, %swap3A_1377], %swap3A_1380 {strides = array<i32>} : memref<80x128xf32, #tpu.memory_space<vmem>>, vector<1x16xf32>,
        %get3A_1381 = arith.index_cast %add3A_1370 : i32 to index
        %get3A_1382 = arith.constant 16 : index
        %get3A_1383 = tpu.vector_load %arg10[%get3A_1381, %get3A_1382] {strides = array<i32>} : memref<80x128xf32, #tpu.memory_space<vmem>>, vector<1x16xf32>,
        %get3A_1384 = vector.shape_cast %get3A_1383 : vector<1x16xf32> to vector<16xf32>
        %mul3A_1385 = arith.mulf %get3A_1384, %gather3A_1366 : vector<16xf32>
        %swap3A_1386 = arith.index_cast %add3A_1370 : i32 to index
        %swap3A_1387 = arith.constant 16 : index
        %swap3A_1388 = tpu.vector_load %arg10[%swap3A_1386, %swap3A_1387] {strides = array<i32>} : memref<80x128xf32, #tpu.memory_space<vmem>>, vector<1x16xf32>,
        %swap3A_1389 = vector.shape_cast %swap3A_1388 : vector<1x16xf32> to vector<16xf32>
        %swap3A_1390 = vector.shape_cast %mul3A_1385 : vector<16xf32> to vector<1x16xf32>
        tpu.vector_store %arg10[%swap3A_1386, %swap3A_1387], %swap3A_1390 {strides = array<i32>} : memref<80x128xf32, #tpu.memory_space<vmem>>, vector<1x16xf32>,
        %get3A_1391 = arith.index_cast %add3A_1370 : i32 to index
        %get3A_1392 = arith.constant 32 : index
        %get3A_1393 = tpu.vector_load %arg10[%get3A_1391, %get3A_1392] {strides = array<i32>} : memref<80x128xf32, #tpu.memory_space<vmem>>, vector<1x16xf32>,
        %get3A_1394 = vector.shape_cast %get3A_1393 : vector<1x16xf32> to vector<16xf32>
        %mul3A_1395 = arith.mulf %get3A_1394, %gather3A_1366 : vector<16xf32>
        %swap3A_1396 = arith.index_cast %add3A_1370 : i32 to index
        %swap3A_1397 = arith.constant 32 : index
        %swap3A_1398 = tpu.vector_load %arg10[%swap3A_1396, %swap3A_1397] {strides = array<i32>} : memref<80x128xf32, #tpu.memory_space<vmem>>, vector<1x16xf32>,
        %swap3A_1399 = vector.shape_cast %swap3A_1398 : vector<1x16xf32> to vector<16xf32>
        %swap3A_1400 = vector.shape_cast %mul3A_1395 : vector<16xf32> to vector<1x16xf32>
        tpu.vector_store %arg10[%swap3A_1396, %swap3A_1397], %swap3A_1400 {strides = array<i32>} : memref<80x128xf32, #tpu.memory_space<vmem>>, vector<1x16xf32>,
        %get3A_1401 = arith.index_cast %add3A_1370 : i32 to index
        %get3A_1402 = arith.constant 48 : index
        %get3A_1403 = tpu.vector_load %arg10[%get3A_1401, %get3A_1402] {strides = array<i32>} : memref<80x128xf32, #tpu.memory_space<vmem>>, vector<1x16xf32>,
        %get3A_1404 = vector.shape_cast %get3A_1403 : vector<1x16xf32> to vector<16xf32>
        %mul3A_1405 = arith.mulf %get3A_1404, %gather3A_1366 : vector<16xf32>
        %swap3A_1406 = arith.index_cast %add3A_1370 : i32 to index
        %swap3A_1407 = arith.constant 48 : index
        %swap3A_1408 = tpu.vector_load %arg10[%swap3A_1406, %swap3A_1407] {strides = array<i32>} : memref<80x128xf32, #tpu.memory_space<vmem>>, vector<1x16xf32>,
        %swap3A_1409 = vector.shape_cast %swap3A_1408 : vector<1x16xf32> to vector<16xf32>
        %swap3A_1410 = vector.shape_cast %mul3A_1405 : vector<16xf32> to vector<1x16xf32>
        tpu.vector_store %arg10[%swap3A_1406, %swap3A_1407], %swap3A_1410 {strides = array<i32>} : memref<80x128xf32, #tpu.memory_space<vmem>>, vector<1x16xf32>,
        %get3A_1411 = arith.index_cast %add3A_1370 : i32 to index
        %get3A_1412 = arith.constant 64 : index
        %get3A_1413 = tpu.vector_load %arg10[%get3A_1411, %get3A_1412] {strides = array<i32>} : memref<80x128xf32, #tpu.memory_space<vmem>>, vector<1x16xf32>,
        %get3A_1414 = vector.shape_cast %get3A_1413 : vector<1x16xf32> to vector<16xf32>
        %mul3A_1415 = arith.mulf %get3A_1414, %gather3A_1366 : vector<16xf32>
        %swap3A_1416 = arith.index_cast %add3A_1370 : i32 to index
        %swap3A_1417 = arith.constant 64 : index
        %swap3A_1418 = tpu.vector_load %arg10[%swap3A_1416, %swap3A_1417] {strides = array<i32>} : memref<80x128xf32, #tpu.memory_space<vmem>>, vector<1x16xf32>,
        %swap3A_1419 = vector.shape_cast %swap3A_1418 : vector<1x16xf32> to vector<16xf32>
        %swap3A_1420 = vector.shape_cast %mul3A_1415 : vector<16xf32> to vector<1x16xf32>
        tpu.vector_store %arg10[%swap3A_1416, %swap3A_1417], %swap3A_1420 {strides = array<i32>} : memref<80x128xf32, #tpu.memory_space<vmem>>, vector<1x16xf32>,
        %get3A_1421 = arith.index_cast %add3A_1370 : i32 to index
        %get3A_1422 = arith.constant 80 : index
        %get3A_1423 = tpu.vector_load %arg10[%get3A_1421, %get3A_1422] {strides = array<i32>} : memref<80x128xf32, #tpu.memory_space<vmem>>, vector<1x16xf32>,
        %get3A_1424 = vector.shape_cast %get3A_1423 : vector<1x16xf32> to vector<16xf32>
        %mul3A_1425 = arith.mulf %get3A_1424, %gather3A_1366 : vector<16xf32>
        %swap3A_1426 = arith.index_cast %add3A_1370 : i32 to index
        %swap3A_1427 = arith.constant 80 : index
        %swap3A_1428 = tpu.vector_load %arg10[%swap3A_1426, %swap3A_1427] {strides = array<i32>} : memref<80x128xf32, #tpu.memory_space<vmem>>, vector<1x16xf32>,
        %swap3A_1429 = vector.shape_cast %swap3A_1428 : vector<1x16xf32> to vector<16xf32>
        %swap3A_1430 = vector.shape_cast %mul3A_1425 : vector<16xf32> to vector<1x16xf32>
        tpu.vector_store %arg10[%swap3A_1426, %swap3A_1427], %swap3A_1430 {strides = array<i32>} : memref<80x128xf32, #tpu.memory_space<vmem>>, vector<1x16xf32>,
        %get3A_1431 = arith.index_cast %add3A_1370 : i32 to index
        %get3A_1432 = arith.constant 96 : index
        %get3A_1433 = tpu.vector_load %arg10[%get3A_1431, %get3A_1432] {strides = array<i32>} : memref<80x128xf32, #tpu.memory_space<vmem>>, vector<1x16xf32>,
        %get3A_1434 = vector.shape_cast %get3A_1433 : vector<1x16xf32> to vector<16xf32>
        %mul3A_1435 = arith.mulf %get3A_1434, %gather3A_1366 : vector<16xf32>
        %swap3A_1436 = arith.index_cast %add3A_1370 : i32 to index
        %swap3A_1437 = arith.constant 96 : index
        %swap3A_1438 = tpu.vector_load %arg10[%swap3A_1436, %swap3A_1437] {strides = array<i32>} : memref<80x128xf32, #tpu.memory_space<vmem>>, vector<1x16xf32>,
        %swap3A_1439 = vector.shape_cast %swap3A_1438 : vector<1x16xf32> to vector<16xf32>
        %swap3A_1440 = vector.shape_cast %mul3A_1435 : vector<16xf32> to vector<1x16xf32>
        tpu.vector_store %arg10[%swap3A_1436, %swap3A_1437], %swap3A_1440 {strides = array<i32>} : memref<80x128xf32, #tpu.memory_space<vmem>>, vector<1x16xf32>,
        %get3A_1441 = arith.index_cast %add3A_1370 : i32 to index
        %get3A_1442 = arith.constant 112 : index
        %get3A_1443 = tpu.vector_load %arg10[%get3A_1441, %get3A_1442] {strides = array<i32>} : memref<80x128xf32, #tpu.memory_space<vmem>>, vector<1x16xf32>,
        %get3A_1444 = vector.shape_cast %get3A_1443 : vector<1x16xf32> to vector<16xf32>
        %mul3A_1445 = arith.mulf %get3A_1444, %gather3A_1366 : vector<16xf32>
        %swap3A_1446 = arith.index_cast %add3A_1370 : i32 to index
        %swap3A_1447 = arith.constant 112 : index
        %swap3A_1448 = tpu.vector_load %arg10[%swap3A_1446, %swap3A_1447] {strides = array<i32>} : memref<80x128xf32, #tpu.memory_space<vmem>>, vector<1x16xf32>,
        %swap3A_1449 = vector.shape_cast %swap3A_1448 : vector<1x16xf32> to vector<16xf32>
        %swap3A_1450 = vector.shape_cast %mul3A_1445 : vector<16xf32> to vector<1x16xf32>
        tpu.vector_store %arg10[%swap3A_1446, %swap3A_1447], %swap3A_1450 {strides = array<i32>} : memref<80x128xf32, #tpu.memory_space<vmem>>, vector<1x16xf32>,
      }
      %scan3A_40 = arith.constant 5 : i32
      "tpu.region"() ({
        %run_scoped3A = tpu.sem_alloc : memref<!tpu.dma_semaphore, #tpu.memory_space<semaphore_mem>>
        %dma_start3A_41 = arith.constant 0 : i32
        %dma_start3A_42 = arith.constant 0 : i32
        %dma_start3A_43 = tpu.memref_slice %arg12[%dma_start3A_41, %dma_start3A_42] : memref<10240x128xf32, #tpu.memory_space<vmem_shared>> -> memref<10240x128xf32, #tpu.memory_space<vmem_shared>>
        tpu.enqueue_indirect_dma source(%arg10 : memref<80x128xf32, #tpu.memory_space<vmem>>) target(%dma_start3A_43 : memref<10240x128xf32, #tpu.memory_space<vmem_shared>>) offsets(%arg8 : memref<80xi32, #tpu.memory_space<vmem>>) semaphore(%run_scoped3A : memref<!tpu.dma_semaphore, #tpu.memory_space<semaphore_mem>>) {add = true}
        %dma_wait3A_44 = arith.constant 0 : i32
        %dma_wait3A_45 = arith.constant 0 : i32
        %dma_wait3A_46 = tpu.memref_slice %arg12[%dma_wait3A_44, %dma_wait3A_45] : memref<10240x128xf32, #tpu.memory_space<vmem_shared>> -> memref<10240x128xf32, #tpu.memory_space<vmem_shared>>
        tpu.wait_indirect_dma semaphore(%run_scoped3A : memref<!tpu.dma_semaphore, #tpu.memory_space<semaphore_mem>>) src(%arg10 : memref<80x128xf32, #tpu.memory_space<vmem>>) dst(%dma_wait3A_46 : memref<10240x128xf32, #tpu.memory_space<vmem_shared>>)
        tpu.yield
      }) : () -> ()
    }
    %scan3A_25 = arith.constant 125 : i32
    %barrier3A_26 = arith.constant 0 : index
    tpu.barrier barrier_id(%barrier3A_26)
    "tpu.region"() ({
      %run_scoped3A = tpu.sem_alloc : memref<!tpu.dma_semaphore, #tpu.memory_space<semaphore_mem>>
      %dma_start3A = arith.constant 0 : i32
      %dma_start3A_27 = tpu.memref_slice %arg6[%arg0, %mul3A_7, %dma_start3A] : memref<2x10240x128xf32, #tpu.memory_space<hbm>> -> memref<1x640x128xf32, #tpu.memory_space<hbm>>
      %dma_start3A_28 = tpu.memref_squeeze %dma_start3A_27 : memref<1x640x128xf32, #tpu.memory_space<hbm>> -> memref<640x128xf32, #tpu.memory_space<hbm>>
      %dma_start3A_29 = arith.constant 0 : i32
      %dma_start3A_30 = tpu.memref_slice %arg12[%mul3A_7, %dma_start3A_29] : memref<10240x128xf32, #tpu.memory_space<vmem_shared>> -> memref<640x128xf32, #tpu.memory_space<vmem_shared>>
      tpu.enqueue_dma source(%dma_start3A_30 : memref<640x128xf32, #tpu.memory_space<vmem_shared>>) target(%dma_start3A_28 : memref<640x128xf32, #tpu.memory_space<hbm>>) target_semaphore(%run_scoped3A : memref<!tpu.dma_semaphore, #tpu.memory_space<semaphore_mem>>)
      %dma_wait3A = arith.constant 0 : i32
      %dma_wait3A_31 = tpu.memref_slice %arg6[%arg0, %mul3A_7, %dma_wait3A] : memref<2x10240x128xf32, #tpu.memory_space<hbm>> -> memref<1x640x128xf32, #tpu.memory_space<hbm>>
      %dma_wait3A_32 = tpu.memref_squeeze %dma_wait3A_31 : memref<1x640x128xf32, #tpu.memory_space<hbm>> -> memref<640x128xf32, #tpu.memory_space<hbm>>
      %dma_wait3A_33 = arith.constant 0 : i32
      %dma_wait3A_34 = tpu.memref_slice %arg12[%mul3A_7, %dma_wait3A_33] : memref<10240x128xf32, #tpu.memory_space<vmem_shared>> -> memref<640x128xf32, #tpu.memory_space<vmem_shared>>
      tpu.wait_dma2 semaphore(%run_scoped3A : memref<!tpu.dma_semaphore, #tpu.memory_space<semaphore_mem>>) src(%dma_wait3A_34 : memref<640x128xf32, #tpu.memory_space<vmem_shared>>) dst(%dma_wait3A_32 : memref<640x128xf32, #tpu.memory_space<hbm>>)
      tpu.yield
    }) : () -> ()
    return
  }
}

module attributes {stable_mosaic.version = 14 : i64} {
  func.func @_combine_body(%arg0: i32, %arg1: memref<2x1000x128xf32, #tpu.memory_space<vmem>>, %arg2: memref<1000x128xf32, #tpu.memory_space<vmem>>) attributes {dimension_semantics = [#tpu.dimension_semantics<arbitrary>], iteration_bounds = array<i64: 10>, scalar_prefetch = 0 : i64, scratch_operands = 0 : i64, tpu.core_type = #tpu.core_type<tc>, window_params = [{transform_indices = @transform_0, window_bounds = array<i64: 2, 1000, 128>}, {transform_indices = @transform_1, window_bounds = array<i64: 1000, 128>}]} {
    %get3A = arith.constant 0 : index
    %get3A_0 = arith.constant 0 : index
    %get3A_1 = arith.constant 0 : index
    %get3A_2 = vector.load %arg1[%get3A, %get3A_0, %get3A_1] : memref<2x1000x128xf32, #tpu.memory_space<vmem>>, vector<1x1000x128xf32>
    %get3A_3 = vector.shape_cast %get3A_2 : vector<1x1000x128xf32> to vector<1000x128xf32>
    %get3A_4 = arith.constant 1 : index
    %get3A_5 = arith.constant 0 : index
    %get3A_6 = arith.constant 0 : index
    %get3A_7 = vector.load %arg1[%get3A_4, %get3A_5, %get3A_6] : memref<2x1000x128xf32, #tpu.memory_space<vmem>>, vector<1x1000x128xf32>
    %get3A_8 = vector.shape_cast %get3A_7 : vector<1x1000x128xf32> to vector<1000x128xf32>
    %add3A = arith.addf %get3A_3, %get3A_8 : vector<1000x128xf32>
    %max3A = arith.constant 0.000000e+00 : f32
    %max3A_9 = vector.broadcast %max3A : f32 to vector<1000x128xf32>
    %max3A_10 = arith.maximumf %add3A, %max3A_9 : vector<1000x128xf32>
    %swap3A = arith.constant 0 : index
    %swap3A_11 = arith.constant 0 : index
    %swap3A_12 = vector.load %arg2[%swap3A, %swap3A_11] : memref<1000x128xf32, #tpu.memory_space<vmem>>, vector<1000x128xf32>
    tpu.vector_store %arg2[%swap3A, %swap3A_11], %max3A_10 {strides = array<i32>} : memref<1000x128xf32, #tpu.memory_space<vmem>>, vector<1000x128xf32>,
    return
  }
  func.func @transform_0(%arg0: i32) -> (i32, i32, i32) {
    %c0_i32 = arith.constant 0 : i32
    %c0_i32_0 = arith.constant 0 : i32
    %c0_i32_1 = arith.constant 0 : i32
    return %c0_i32, %arg0, %c0_i32_0 : i32, i32, i32
  }
  func.func @transform_1(%arg0: i32) -> (i32, i32) {
    %c0_i32 = arith.constant 0 : i32
    %c0_i32_0 = arith.constant 0 : i32
    return %arg0, %c0_i32 : i32, i32
  }
}

module attributes {stable_mosaic.version = 14 : i64} {
  func.func @_mm_body(%arg0: i32, %arg1: memref<1000x128xf32, #tpu.memory_space<vmem>>, %arg2: memref<128x128xf32, #tpu.memory_space<vmem>>, %arg3: memref<1000x128xf32, #tpu.memory_space<vmem>>) attributes {dimension_semantics = [#tpu.dimension_semantics<arbitrary>], iteration_bounds = array<i64: 10>, scalar_prefetch = 0 : i64, scratch_operands = 0 : i64, tpu.core_type = #tpu.core_type<tc>, window_params = [{transform_indices = @transform_0, window_bounds = array<i64: 1000, 128>}, {pipeline_mode = #tpu.pipeline_mode<synchronous>, transform_indices = @transform_1, window_bounds = array<i64: 128, 128>}, {transform_indices = @transform_2, window_bounds = array<i64: 1000, 128>}]} {
    %get3A = arith.constant 0 : index
    %get3A_0 = arith.constant 0 : index
    %get3A_1 = vector.load %arg1[%get3A, %get3A_0] : memref<1000x128xf32, #tpu.memory_space<vmem>>, vector<1000x128xf32>
    %get3A_2 = arith.constant 0 : index
    %get3A_3 = arith.constant 0 : index
    %get3A_4 = vector.load %arg2[%get3A_2, %get3A_3] : memref<128x128xf32, #tpu.memory_space<vmem>>, vector<128x128xf32>
    %dot_general3A = arith.constant dense<0.000000e+00> : vector<1000x128xf32>
    %dot_general3A_5 = tpu.matmul %get3A_1, %get3A_4, %dot_general3A {dimension_numbers = #tpu.dot_dimension_numbers<[1], [0], [0], [1], [0, 0, 1, 1], [], []>, transpose_lhs_hint = false} : vector<1000x128xf32>, vector<128x128xf32>, vector<1000x128xf32> -> vector<1000x128xf32>
    %swap3A = arith.constant 0 : index
    %swap3A_6 = arith.constant 0 : index
    %swap3A_7 = vector.load %arg3[%swap3A, %swap3A_6] : memref<1000x128xf32, #tpu.memory_space<vmem>>, vector<1000x128xf32>
    tpu.vector_store %arg3[%swap3A, %swap3A_6], %dot_general3A_5 {strides = array<i32>} : memref<1000x128xf32, #tpu.memory_space<vmem>>, vector<1000x128xf32>,
    return
  }
  func.func @transform_0(%arg0: i32) -> (i32, i32) {
    %c0_i32 = arith.constant 0 : i32
    %c0_i32_0 = arith.constant 0 : i32
    return %arg0, %c0_i32 : i32, i32
  }
  func.func @transform_1(%arg0: i32) -> (i32, i32) {
    %c0_i32 = arith.constant 0 : i32
    %c0_i32_0 = arith.constant 0 : i32
    %c0_i32_1 = arith.constant 0 : i32
    return %c0_i32, %c0_i32_0 : i32, i32
  }
  func.func @transform_2(%arg0: i32) -> (i32, i32) {
    %c0_i32 = arith.constant 0 : i32
    %c0_i32_0 = arith.constant 0 : i32
    return %arg0, %c0_i32 : i32, i32
  }
}

</mosaic_0001>

<sc_bundles>
// kernel: kernel.5.cloned.1.call-start
scs
__scs_entry_jumppad:
0x0: {  	(pc) =	sbr.rel $0x88, $3  }
0x1: {  	(tag) =	ssettag $0x0;
	lr =	simm.s32 $0x1  }
0x2: {  	[smem:$0x3F9D] =	sst lr;
	_ =	strace $0xD0000000  }
0x3: {  	_ = 	snop  }
0x4: {  	_ = 	snop  }
0x5: {  	_ = 	snop  }
0x6: {  	_ = 	snop  }
0x7: {  	_ = 	snop  }
__scs_overlays_trampoline_lowered:
0x8: {  	[smem:$0x3FAC] =	sst s0  }
0x9: {  	[smem:$0x3FAD] =	sst s1  }
0xa: {  	[smem:$0x3FAE] =	sst s2  }
0xb: {  	[smem:$0x3FAF] =	sst s3  }
0xc: {  	[smem:$0x3FB0] =	sst s4  }
0xd: {  	[smem:$0x3FB1] =	sst s5  }
0xe: {  	[smem:$0x3FB2] =	sst s6  }
0xf: {  	[smem:$0x3FB3] =	sst s7  }
0x10: {  	[smem:$0x3FB4] =	sst s8  }
0x11: {  	[smem:$0x3FB5] =	sst s9;
	s0 =	simm.s32 @!p0 $0x0  }
0x12: {  	s1 =	sld [smem:$0x3F9B];
	s0 =	simm.s32 @p0 $0x1  }
0x13: {  	[smem:$0x3FB6] =	sst s0;
	s0 =	simm.s32 @!p1 $0x0  }
0x14: {  	s2 =	sld [smem:$0x3F9A];
	s0 =	simm.s32 @p1 $0x1  }
0x15: {  	[smem:$0x3FB7] =	sst s0;
	s0 =	simm.s32 @!p2 $0x0  }
0x16: {  	s3 =	sld [smem:$0x3FDB];
	s0 =	simm.s32 @p2 $0x1  }
0x17: {  	s4 =	simm.s32 $0x1BF5;
	[smem:$0x3FB9] =	sst s0  }
0x18: {  	s0 =	sld [smem:$0x3F9C];
	_ =	swait.ge [sflag:s4], $0x0  }
0x19: {  	s7 =	sld [smem:$0x3F9D]  }
0x1a: {  	s8 =	sadd.s32 $0xFFFFE003, lr  }
0x1b: {  	s9 =	sadd.s32 $0xFFFFFEF7, lr;
	s5 =	simm.s32 $0xFFFFFFFF;
	p2 =	slt.u32 s8, $0xFFFFF086  }
0x1c: {  	p1 =	slt.u32 s9, $0xF7A;
	s5 =	simm.s32 @!p2 $0x0  }
0x1d: {  	s5 =	simm.s32 @p1 $0x1;
	p0 =	seq.s32 s7, s2  }
0x1e: {  	s7 =	smul.u32 @!p0 $0xF7A, s2;
	p2 =	seq.s32 @!p0 s5, $0x0  }
0x1f: {  	s9 =	smul.u32 $0xF7A, s1;
	s8 =	simm.s32 @!p0 $0x1BF5;
	p2 =	por !p2, p0  }
0x20: {  	[sflag:s8] =	ssyncset.s32 @!p0 $0xFFFFF086;
	s6 =	sadd.s32 @!p0 s3, s7;
	s7 =	simm.s32 @!p0 $0x108  }
0x21: {  	s3 =	sadd.s32 s3, s9;
	s6 =	sadd.s32 @!p0 $0x88, s6;
	s7 =	simm.s32 @p2 $0x1082  }
0x22: {  	[simem:s7], [sflag:s8] =	dma.local @!p0 [hbm:s6], $0xF7A  }
0x23: {  	s9 =	sor.u32 $0xD0000000, s2;
	s6 =	simm.s32 $0x108;
	_ =	swait.ge @!p0 [sflag:s8], $0x0  }
0x24: {  	s3 =	sadd.s32 $0x88, s3;
	s6 =	simm.s32 @!p1 $0x1082;
	[sflag:s4] =	ssyncset.s32 $0xFFFFF086  }
0x25: {  	[simem:s6], [sflag:s4] =	dma.local [hbm:s3], $0xF7A  }
0x26: {  	[smem:$0x3F9D] =	sst s1;
	(tag) =	ssettag s2;
	_ =	strace s9  }
0x27: {  	s1 =	sld [smem:$0x3FAD]  }
0x28: {  	s2 =	sld [smem:$0x3FAE]  }
0x29: {  	s4 =	sld [smem:$0x3FB0]  }
0x2a: {  	p0 =	seq.s32 s5, $0x0;
	s5 =	sld [smem:$0x3FB1]  }
0x2b: {  	s6 =	sld [smem:$0x3FB2]  }
0x2c: {  	s7 =	sld [smem:$0x3FB3]  }
0x2d: {  	s3 =	simm.s32 $0x108;
	s8 =	sld [smem:$0x3FB4]  }
0x2e: {  	s3 =	simm.s32 @!p0 $0x1082;
	s9 =	sld [smem:$0x3FB5]  }
0x2f: {  	lr =	sadd.s32 s0, s3;
	s0 =	sld [smem:$0x3FAC]  }
0x30: {  	s3 =	sld [smem:$0x3FAF]  }
0x31: {  	[smem:$0x3FB8] =	sst s10  }
0x32: {  	s10 =	sld [smem:$0x3FB6];
	_ =	sdelay $0x3  }
0x33: {  	p0 =	seq.s32 s10, $0x1;
	s10 =	sld [smem:$0x3FB8];
	_ =	sdelay $0x3  }
0x34: {  	[smem:$0x3FB8] =	sst s10  }
0x35: {  	s10 =	sld [smem:$0x3FB7];
	_ =	sdelay $0x3  }
0x36: {  	p1 =	seq.s32 s10, $0x1;
	s10 =	sld [smem:$0x3FB8];
	_ =	sdelay $0x3  }
0x37: {  	[smem:$0x3FB8] =	sst s10  }
0x38: {  	s10 =	sld [smem:$0x3FB9]  }
0x39: {  	_ = 	snop;
	(pc) =	sbr.ind lr, $3  }
0x3a: {  	_ = 	snop  }
0x3b: {  	_ = 	snop  }
0x3c: {  	p2 =	seq.s32 s10, $0x1;
	s10 =	sld [smem:$0x3FB8]  }
0x3d: {  	_ =	shalt  }
0x3e: {  	_ =	shalt  }
0x3f: {  	_ =	shalt  }
0x40: {  	_ =	shalt  }
0x41: {  	_ =	shalt  }
0x42: {  	_ =	shalt  }
0x43: {  	_ =	shalt  }
0x44: {  	_ =	shalt  }
0x45: {  	_ =	shalt  }
0x46: {  	_ =	shalt  }
0x47: {  	_ =	shalt  }
0x48: {  	_ =	shalt  }
0x49: {  	_ =	shalt  }
0x4a: {  	_ =	shalt  }
0x4b: {  	_ =	shalt  }
0x4c: {  	_ =	shalt  }
0x4d: {  	_ =	shalt  }
0x4e: {  	_ =	shalt  }
0x4f: {  	_ =	shalt  }
0x50: {  	_ =	shalt  }
0x51: {  	_ =	shalt  }
0x52: {  	_ =	shalt  }
0x53: {  	_ =	shalt  }
0x54: {  	_ =	shalt  }
0x55: {  	_ =	shalt  }
0x56: {  	_ =	shalt  }
0x57: {  	_ =	shalt  }
0x58: {  	_ =	shalt  }
0x59: {  	_ =	shalt  }
0x5a: {  	_ =	shalt  }
0x5b: {  	_ =	shalt  }
0x5c: {  	_ =	shalt  }
0x5d: {  	_ =	shalt  }
0x5e: {  	_ =	shalt  }
0x5f: {  	_ =	shalt  }
0x60: {  	_ =	shalt  }
0x61: {  	_ =	shalt  }
0x62: {  	_ =	shalt  }
0x63: {  	_ =	shalt  }
0x64: {  	_ =	shalt  }
0x65: {  	_ =	shalt  }
0x66: {  	_ =	shalt  }
0x67: {  	_ =	shalt  }
0x68: {  	_ =	shalt  }
0x69: {  	_ =	shalt  }
0x6a: {  	_ =	shalt  }
0x6b: {  	_ =	shalt  }
0x6c: {  	_ =	shalt  }
0x6d: {  	_ =	shalt  }
0x6e: {  	_ =	shalt  }
0x6f: {  	_ =	shalt  }
0x70: {  	_ =	shalt  }
0x71: {  	_ =	shalt  }
0x72: {  	_ =	shalt  }
0x73: {  	_ =	shalt  }
0x74: {  	_ =	shalt  }
0x75: {  	_ =	shalt  }
0x76: {  	_ =	shalt  }
0x77: {  	_ =	shalt  }
0x78: {  	_ =	shalt  }
0x79: {  	_ =	shalt  }
0x7a: {  	_ =	shalt  }
0x7b: {  	_ =	shalt  }
0x7c: {  	_ =	shalt  }
0x7d: {  	_ =	shalt  }
0x7e: {  	_ =	shalt  }
0x7f: {  	_ =	shalt  }
0x80: {  	_ =	shalt  }
0x81: {  	_ =	shalt  }
0x82: {  	_ =	shalt  }
0x83: {  	_ =	shalt  }
0x84: {  	_ =	shalt  }
0x85: {  	_ =	shalt  }
0x86: {  	_ =	shalt  }
0x87: {  	_ =	shalt  }
.Lfunc_end0:
.L_simem_size_0:
called_computation_lowered:
.L_overlay_start_0:
0x88: {  	s2 =	sld [smem:$0x3FD9]  }
0x89: {  	s3 =	sld [smem:$0x3FFE];
	_ =	sdelay $0x1  }
0x8a: {  	s1 =	srdreg.scid  }
0x8b: {  	s0 =	sand.u32 $0x1, s1  }
0x8c: {  	s17 =	sshll.u32 s0, $0xA;
	s2 =	sadd.s32 s3, s2  }
0x8d: {  	s2 =	sadd.s32 s2, s17  }
0x8e: {  	[smem:$0x3FC4] =	sst s2  }
0x8f: {  	_ = 	snop  }
0x90: {  	s2 =	sld [smem:$0x3FC7]  }
0x91: {  	s18 =	sld [smem:$0x3FD0];
	(tm) =	ssettm $0x1  }
0x92: {  	s4 =	sld [smem:$0x3FFB];
	_ =	sdelay $0x3  }
0x93: {  	_ =	strace s4  }
0x94: {  	s4 =	sld [smem:$0x3FFC];
	_ =	sdelay $0x3  }
0x95: {  	_ =	strace s4  }
0x96: {  	s4 =	sld [smem:$0x3FFD];
	_ =	sdelay $0x3  }
0x97: {  	_ =	strace s4  }
0x98: {  	_ =	strace $0x8FFFFFFF  }
0x99: {  	s19 =	sld [smem:$0x3FDB];
	_ =	sdelay $0x1  }
0x9a: {  	s5 =	simm.s32 $_scs_section_size  }
0x9b: {  	s6 =	simm.s32 $_size__tile_overlayer_lowered;
	s7 =	simm.s32 $_tile_overlayer_lowered  }
0x9c: {  	s22 =	simm.s32 $0x1BFF;
	s21 =	sshll.u32 s7, $0x1;
	s4 =	sadd.s32 s5, s19  }
0x9d: {  	s8 =	simm.s32 $0x0;
	s20 =	sshll.u32 s6, $0x1;
	s6 =	sadd.s32 s21, s4  }
0x9e: {  	[timem:s8], [sflag:s22] =	dma.local [hbm:s6], s20  }
0x9f: {  	_ =	swait.ge [sflag:s22], s20  }
0xa0: {  	s5 =	ssub.s32 $0x0, s20;
	[sflag:s22] =	ssyncset.done $0x0  }
0xa1: {  	[sflag:s22] =	ssyncadd.s32 s5;
	_ =	sdelay $0x1  }
0xa2: {  	s23 =	simm.s32 $0x1B8B  }
0xa3: {  	_ =	swait.ge [sflag:s23], $0x1  }
0xa4: {  	[sflag:s23] =	ssyncset.done $0x0  }
0xa5: {  	s25 =	simm.s32 $0x1B8E;
	s24 =	sld [smem:$0x3FFE];
	[sflag:s23] =	ssyncadd.s32 $0xFFFFFFFF  }
0xa6: {  	s26 =	simm.s32 $execute0_lowered;
	[smem:$0x3FD2] =	sst s25  }
0xa7: {  	s6 =	sshll.u32 s26, $0x1;
	_ =	strace $0x80000046;
	[dreg:$0x1] =	wrdreg $0xFFFFFFFF  }
0xa8: {  	s28 =	simm.s32 $_size_execute0_lowered;
	s4 =	sadd.s32 s4, s6;
	[dreg:$0x0] =	wrdreg $0x0  }
0xa9: {  	s6 =	sshll.u32 s28, $0x1;
	[dreg:$0x2] =	wrdreg s4  }
0xaa: {  	[dreg:$0x3] =	wrdreg s6  }
0xab: {  	[dreg:$0x4] =	wrdreg $0xC0  }
0xac: {  	_ =	task [dreg:s8], $0x5FFFF  }
0xad: {  	[dreg:$0x1] =	wrdreg $0xFFFFFFFF  }
0xae: {  	[dreg:$0x0] =	wrdreg $0x60  }
0xaf: {  	[dreg:$0x2] =	wrdreg s18  }
0xb0: {  	[dreg:$0x3] =	wrdreg s24  }
0xb1: {  	[dreg:$0x4] =	wrdreg s2  }
0xb2: {  	[dreg:$0x5] =	wrdreg $0x69800  }
0xb3: {  	[dreg:$0x6] =	wrdreg $0x9  }
0xb4: {  	_ =	task.clear_ibuf [dreg:s8], $0x7FFFF;
	_ =	strace $0x90000046  }
0xb5: {  	s29 =	simm.s32 $0x9;
	_ =	strace $0x80000048  }
0xb6: {  	_ =	swait.ge [sflag:s29], $0x1  }
0xb7: {  	[sflag:s29] =	ssyncadd.s32 $0xFFFFFFFF  }
0xb8: {  	_ =	strace $0x90000048  }
0xb9: {  	_ =	sfence  }
0xba: {  	s30 =	sld [smem:$0x0];
	_ =	sdelay $0x2  }
0xbb: {  	s31 =	sshll.u32 s1, $0xD;
	s1 =	sshrl.u32 s1, $0x2  }
0xbc: {  	s3 =	sand.u32 $0x4000, s31;
	s1 =	sadd.s32 s1, s30  }
0xbd: {  	s0 =	sor.u32 s3, s0;
	s1 =	sshll.u32 s1, $0x11  }
0xbe: {  	s0 =	sor.u32 s1, s0  }
0xbf: {  	s0 =	sadd.s32 $0x8F2B, s0  }
0xc0: {  	[sflag:s0] =	ssyncadd.remote.s32 $0x1  }
0xc1: {  	_ =	sfence.sel $0xFFFF  }
0xc2: {  	[dreg:$0x0] =	wrdreg $0xFFFFFFFF;
	(pc) =	sbr.abs _section_cstart, $3  }
0xc3: {  	[dreg:$0x1] =	wrdreg $0xFFFFFFFF  }
0xc4: {  	_ =	task.clear_ibuf [dreg:s8], $0x2FFFF;
	_ =	strace $0x9FFFFFFF  }
0xc5: {  	(tm) =	ssettm $0x7FFFFFFF  }
tec
execute0_lowered:
.L_overlay_start_1:
0x0: {  	(tag) =	ssettag $0x1  }
0x1: {  	s1 =	rddreg [dreg:$0x0]  }
0x2: {  	s8 =	rddreg [dreg:$0x1]  }
0x3: {  	s2 =	rddreg [dreg:$0x2]  }
0x4: {  	s3 =	rddreg [dreg:$0x3]  }
0x5: {  	s4 =	srdreg.scid;
	s0 =	rddreg [dreg:$0x4];
	s5 =	simm.s32 $0x0  }
0x6: {  	s16 =	simm.s32 $0x2980;
	s17 =	simm.s32 $0x2;
	s18 =	simm.s32 $0x80  }
0x7: {  	s19 =	simm.s32 $0x100;
	s20 =	simm.s32 $0x50;
	s21 =	simm.s32 $0x180  }
0x8: {  	s22 =	simm.s32 $0x1;
	s9 =	sand.u32 $0x1, s4;
	s4 =	stileid.u32  }
0x9: {  	[smem:$0x7FF] =	sst s5;
	s6 =	sadd.s32 $0xA200, s8;
	s7 =	smul.u32 $0x140000, s9  }
0xa: {  	s10 =	smul.u32 $0x14000, s4;
	_ =	strace $0x80000047;
	s12 =	ssub.s32 $0x2, s9  }
0xb: {  	v0 =	vimm.f32 $0.0e+00;
	v1 =	vimm.s32 $0x0;
	s11 =	smul.u32 $0x50000, s4;
	s31 =	sshll.u32 s4, $0x1;
	s29 =	sshrl.u32 s12, $0x1  }
0xc: {  	v2 =	vimm.s32 $0x1;
	v3 =	vimm.s32 $0x2;
	v4 =	vimm.s32 $0x3;
	s13 =	sor.u32 s9, s31;
	s10 =	sadd.s32 s10, s7;
	s7 =	sadd.s32 $0x400, s8  }
0xd: {  	v5 =	vimm.s32 $0x4;
	v6 =	vimm.s32 $0x5;
	v7 =	vimm.s32 $0x6;
	s30 =	sshrl.u32 s11, $0x2;
	s15 =	ssub.s32 s12, s29;
	s10 =	sshrl.u32 s10, $0x3  }
0xe: {  	v8 =	vimm.s32 $0x7;
	v9 =	vimm.s32 $0x8;
	v10 =	vimm.s32 $0x9;
	s13 =	smul.u32 $0x2710, s13;
	s14 =	sadd.s32 s10, s8;
	s8 =	sadd.s32 s30, s3  }
0xf: {  	v11 =	vimm.s32 $0xA;
	v12 =	vimm.s32 $0xB;
	v13 =	vimm.s32 $0xC;
	s15 =	smax.u32 s15, $0x1;
	s9 =	sadd.s32 $0x4000, s8;
	s10 =	sadd.s32 $0x8000, s8  }
0x10: {  	v14 =	vimm.s32 $0xD;
	v15 =	vimm.s32 $0xE;
	v16 =	vimm.s32 $0xF;
	s11 =	sadd.s32 $0xC000, s8;
	s12 =	sadd.s32 $0x10000, s8;
	s14 =	sadd.s32 $0x14000, s14  }
.LBB2_1:
0x11: {  	s23 =	simm.s32 $0x0;
	s24 =	simm.s32 $0x200  }
.LBB2_2:
0x12: {  	p0 =	sne.s32 s24, $0xFE00;
	[tilespmem:s23+$0x29F0] =	vst v0  }
0x13: {  	[tilespmem:s23+$0x2980] =	vst v0  }
0x14: {  	[tilespmem:s23+$0x2990] =	vst v0  }
.Ltmp0:
0x15: {  	[tilespmem:s23+$0x29A0] =	vst v0;
	(pc) =	sbr.rel @p0 .LBB2_2-.Ltmp0, $4  }
0x16: {  	[tilespmem:s23+$0x29B0] =	vst v0  }
0x17: {  	[tilespmem:s23+$0x29C0] =	vst v0  }
0x18: {  	[tilespmem:s23+$0x29D0] =	vst v0  }
0x19: {  	[tilespmem:s23+$0x29E0] =	vst v0;
	s23 =	sshra.s32 s24, $0x2;
	s24 =	sadd.s32 $0x200, s24  }
0x1a: {  	[tilespmem:s23+$0x29F0] =	vst v0  }
0x1b: {  	[tilespmem:s23+$0x2980] =	vst v0  }
0x1c: {  	[tilespmem:s23+$0x2990] =	vst v0  }
0x1d: {  	[tilespmem:s23+$0x29A0] =	vst v0  }
0x1e: {  	[tilespmem:s23+$0x29B0] =	vst v0  }
0x1f: {  	[tilespmem:s23+$0x29C0] =	vst v0  }
0x20: {  	[tilespmem:s23+$0x29D0] =	vst v0  }
0x21: {  	[tilespmem:s23+$0x29E0] =	vst v0  }
0x22: {  	[spmem:s8] =	stream.linear.scatter [tilespmem:s16], [sflag:$0x2], $0x4000, $0x38;
	[tilespmem:$0x1A980] =	vst v63  }
0x23: {  	_ =	swait.ge [sflag:s17], $0x4000  }
0x24: {  	[sflag:s17] =	ssyncset.done $0x0  }
0x25: {  	[sflag:s17] =	ssyncadd.s32 $0xFFFFC000  }
0x26: {  	[spmem:s9] =	stream.linear.scatter [tilespmem:s16], [sflag:$0x2], $0x4000, $0x38;
	[tilespmem:$0x1A980] =	vst v63  }
0x27: {  	_ =	swait.ge [sflag:s17], $0x4000  }
0x28: {  	[sflag:s17] =	ssyncset.done $0x0  }
0x29: {  	[sflag:s17] =	ssyncadd.s32 $0xFFFFC000  }
0x2a: {  	[spmem:s10] =	stream.linear.scatter [tilespmem:s16], [sflag:$0x2], $0x4000, $0x38;
	[tilespmem:$0x1A980] =	vst v63  }
0x2b: {  	_ =	swait.ge [sflag:s17], $0x4000  }
0x2c: {  	[sflag:s17] =	ssyncset.done $0x0  }
0x2d: {  	[sflag:s17] =	ssyncadd.s32 $0xFFFFC000  }
0x2e: {  	[spmem:s11] =	stream.linear.scatter [tilespmem:s16], [sflag:$0x2], $0x4000, $0x38;
	[tilespmem:$0x1A980] =	vst v63  }
0x2f: {  	_ =	swait.ge [sflag:s17], $0x4000  }
0x30: {  	[sflag:s17] =	ssyncset.done $0x0  }
0x31: {  	[sflag:s17] =	ssyncadd.s32 $0xFFFFC000  }
0x32: {  	[spmem:s12] =	stream.linear.scatter [tilespmem:s16], [sflag:$0x2], $0x4000, $0x38;
	[tilespmem:$0x1A980] =	vst v63  }
0x33: {  	_ =	swait.ge [sflag:s17], $0x4000  }
0x34: {  	[sflag:s17] =	ssyncset.done $0x0  }
0x35: {  	[sflag:s17] =	ssyncadd.s32 $0xFFFFC000  }
0x36: {  	s23 =	simm.s32 $0x0;
	s24 =	simm.s32 $0x0;
	[bflag:$0x0] =	sbarrier.arrive $0xFFFF  }
.LBB2_4:
0x37: {  	s25 =	smul.u32 $0x50, s24;
	_ =	sdelay $0x1  }
0x38: {  	s25 =	sadd.s32 s13, s25  }
0x39: {  	s25 =	sshrl.u32 s25, $0x3  }
0x3a: {  	s26 =	sadd.s32 s6, s25  }
0x3b: {  	[tilespmem:s23], [sflag:$0x2] =	stream.linear.gather [hbm4b:s26+s23], $0x50, $0x38;
	[tilespmem:$0x1A980] =	vst v63  }
0x3c: {  	_ =	swait.ge [sflag:s17], $0x50  }
0x3d: {  	[sflag:s17] =	ssyncset.done $0x0  }
0x3e: {  	s31 =	sadd.s32 s7, s25;
	[sflag:s17] =	ssyncadd.s32 $0xFFFFFFB0  }
0x3f: {  	[tilespmem:s18], [sflag:$0x2] =	stream.linear.gather [hbm4b:s31+s23], $0x50, $0x38;
	[tilespmem:$0x1A980] =	vst v63  }
0x40: {  	_ =	swait.ge [sflag:s17], $0x50  }
0x41: {  	[sflag:s17] =	ssyncset.done $0x0  }
0x42: {  	s25 =	sadd.s32 s2, s25;
	[sflag:s17] =	ssyncadd.s32 $0xFFFFFFB0  }
0x43: {  	[tilespmem:s19], [sflag:$0x2] =	stream.linear.gather [hbm4b:s25+s23], $0x50, $0x38;
	[tilespmem:$0x1A980] =	vst v63  }
0x44: {  	_ =	swait.ge [sflag:s17], $0x50  }
0x45: {  	[sflag:s17] =	ssyncset.done $0x0  }
0x46: {  	[sflag:s17] =	ssyncadd.s32 $0xFFFFFFB0  }
0x47: {  	[tilespmem:s21], [sflag:$0x1] =	stream.indirect.gather [hbm4b:s1+s20], $0x80, s23, s20, $0xb8;
	[tilespmem:$0x1A980] =	vst v63  }
0x48: {  	_ =	swait.ge [sflag:s22], $0x2800  }
0x49: {  	[sflag:s22] =	ssyncset.done $0x0  }
0x4a: {  	s25 =	simm.s32 $0x0;
	[sflag:s22] =	ssyncadd.s32 $0xFFFFD800  }
.LBB2_5:
0x4b: {  	s26 =	sshll.u32 s25, $0x4  }
0x4c: {  	s26 =	sand.u32 $0x3FFFFFF0, s26  }
0x4d: {  	s31 =	sshll.u32 s25, $0xB;
	v17 =	vld [tilespmem:s26+$0x100]  }
0x4e: {  	s26 =	sand.u32 $0x3FFFF800, s31  }
0x4f: {  	v18 =	vld [tilespmem:s26+$0x180]  }
0x50: {  	v19 =	vld [tilespmem:s26+$0x190]  }
0x51: {  	v20 =	vld [tilespmem:s26+$0x1A0]  }
0x52: {  	v22 =	vld [tilespmem:s26+$0x1B0];
	v21 =	vperm.xlane v17, v1  }
0x53: {  	v23 =	vld [tilespmem:s26+$0x1C0]  }
0x54: {  	v24 =	vld [tilespmem:s26+$0x1D0];
	v18 =	vmul.f32 v18, v21  }
0x55: {  	v25 =	vld [tilespmem:s26+$0x1E0];
	v19 =	vmul.f32 v19, v21  }
0x56: {  	v38 =	vld [tilespmem:s26+$0x1F0];
	[tilespmem:s26+$0x180] =	vst v18;
	v18 =	vmul.f32 v20, v21  }
0x57: {  	v39 =	vld [tilespmem:s26+$0x200];
	[tilespmem:s26+$0x190] =	vst v19;
	v19 =	vmul.f32 v22, v21  }
0x58: {  	v40 =	vld [tilespmem:s26+$0x210];
	[tilespmem:s26+$0x1A0] =	vst v18;
	v18 =	vmul.f32 v23, v21  }
0x59: {  	v41 =	vld [tilespmem:s26+$0x220];
	[tilespmem:s26+$0x1B0] =	vst v19;
	v19 =	vmul.f32 v24, v21  }
0x5a: {  	v26 =	vld [tilespmem:s26+$0x230];
	v42 =	vperm.xlane v17, v2;
	[tilespmem:s26+$0x1C0] =	vst v18;
	v18 =	vmul.f32 v25, v21  }
0x5b: {  	v43 =	vld [tilespmem:s26+$0x240];
	[tilespmem:s26+$0x1D0] =	vst v19;
	v19 =	vmul.f32 v38, v21  }
0x5c: {  	v44 =	vld [tilespmem:s26+$0x250];
	[tilespmem:s26+$0x1E0] =	vst v18;
	v18 =	vmul.f32 v39, v42  }
0x5d: {  	v45 =	vld [tilespmem:s26+$0x260];
	[tilespmem:s26+$0x1F0] =	vst v19;
	v19 =	vmul.f32 v40, v42  }
0x5e: {  	v46 =	vld [tilespmem:s26+$0x270];
	[tilespmem:s26+$0x200] =	vst v18;
	v18 =	vmul.f32 v41, v42  }
0x5f: {  	v47 =	vld [tilespmem:s26+$0x280];
	[tilespmem:s26+$0x210] =	vst v19;
	v19 =	vmul.f32 v26, v42  }
0x60: {  	v48 =	vld [tilespmem:s26+$0x290];
	[tilespmem:s26+$0x220] =	vst v18;
	v18 =	vmul.f32 v43, v42  }
0x61: {  	v49 =	vld [tilespmem:s26+$0x2A0];
	[tilespmem:s26+$0x230] =	vst v19;
	v19 =	vmul.f32 v44, v42  }
0x62: {  	v51 =	vld [tilespmem:s26+$0x2B0];
	v50 =	vperm.xlane v17, v3;
	[tilespmem:s26+$0x240] =	vst v18;
	v18 =	vmul.f32 v45, v42  }
0x63: {  	v52 =	vld [tilespmem:s26+$0x2C0];
	[tilespmem:s26+$0x250] =	vst v19;
	v19 =	vmul.f32 v46, v42  }
0x64: {  	v53 =	vld [tilespmem:s26+$0x2D0];
	[tilespmem:s26+$0x260] =	vst v18;
	v18 =	vmul.f32 v47, v50  }
0x65: {  	v54 =	vld [tilespmem:s26+$0x2E0];
	[tilespmem:s26+$0x270] =	vst v19;
	v19 =	vmul.f32 v48, v50  }
0x66: {  	v55 =	vld [tilespmem:s26+$0x2F0];
	[tilespmem:s26+$0x280] =	vst v18;
	v18 =	vmul.f32 v49, v50  }
0x67: {  	v56 =	vld [tilespmem:s26+$0x300];
	[tilespmem:s26+$0x290] =	vst v19;
	v19 =	vmul.f32 v51, v50  }
0x68: {  	v57 =	vld [tilespmem:s26+$0x310];
	[tilespmem:s26+$0x2A0] =	vst v18;
	v18 =	vmul.f32 v52, v50  }
0x69: {  	v58 =	vld [tilespmem:s26+$0x320];
	[tilespmem:s26+$0x2B0] =	vst v19;
	v19 =	vmul.f32 v53, v50  }
0x6a: {  	v60 =	vld [tilespmem:s26+$0x330];
	v59 =	vperm.xlane v17, v4;
	[tilespmem:s26+$0x2C0] =	vst v18;
	v18 =	vmul.f32 v54, v50  }
0x6b: {  	v61 =	vld [tilespmem:s26+$0x340];
	[tilespmem:s26+$0x2D0] =	vst v19;
	v19 =	vmul.f32 v55, v50  }
0x6c: {  	v62 =	vld [tilespmem:s26+$0x350];
	[tilespmem:s26+$0x2E0] =	vst v18;
	v18 =	vmul.f32 v56, v59  }
0x6d: {  	v63 =	vld [tilespmem:s26+$0x360];
	[tilespmem:s26+$0x2F0] =	vst v19;
	v19 =	vmul.f32 v57, v59  }
0x6e: {  	v28 =	vld [tilespmem:s26+$0x370];
	[tilespmem:s26+$0x300] =	vst v18;
	v18 =	vmul.f32 v58, v59  }
0x6f: {  	v29 =	vld [tilespmem:s26+$0x380];
	[tilespmem:s26+$0x310] =	vst v19;
	v19 =	vmul.f32 v60, v59  }
0x70: {  	v30 =	vld [tilespmem:s26+$0x390];
	[tilespmem:s26+$0x320] =	vst v18;
	v18 =	vmul.f32 v61, v59  }
0x71: {  	v31 =	vld [tilespmem:s26+$0x3A0];
	[tilespmem:s26+$0x330] =	vst v19;
	v19 =	vmul.f32 v62, v59  }
0x72: {  	v33 =	vld [tilespmem:s26+$0x3B0];
	v32 =	vperm.xlane v17, v5;
	[tilespmem:s26+$0x340] =	vst v18;
	v18 =	vmul.f32 v63, v59  }
0x73: {  	v34 =	vld [tilespmem:s26+$0x3C0];
	[tilespmem:s26+$0x350] =	vst v19;
	v19 =	vmul.f32 v28, v59  }
0x74: {  	v35 =	vld [tilespmem:s26+$0x3D0];
	[tilespmem:s26+$0x360] =	vst v18;
	v18 =	vmul.f32 v29, v32  }
0x75: {  	v36 =	vld [tilespmem:s26+$0x3E0];
	[tilespmem:s26+$0x370] =	vst v19;
	v19 =	vmul.f32 v30, v32  }
0x76: {  	v37 =	vld [tilespmem:s26+$0x3F0];
	[tilespmem:s26+$0x380] =	vst v18;
	v18 =	vmul.f32 v31, v32  }
0x77: {  	v38 =	vld [tilespmem:s26+$0x400];
	[tilespmem:s26+$0x390] =	vst v19;
	v19 =	vmul.f32 v33, v32  }
0x78: {  	v39 =	vld [tilespmem:s26+$0x410];
	[tilespmem:s26+$0x3A0] =	vst v18;
	v18 =	vmul.f32 v34, v32  }
0x79: {  	v40 =	vld [tilespmem:s26+$0x420];
	[tilespmem:s26+$0x3B0] =	vst v19;
	v19 =	vmul.f32 v35, v32  }
0x7a: {  	v41 =	vperm.xlane v17, v6;
	v42 =	vld [tilespmem:s26+$0x430];
	[tilespmem:s26+$0x3C0] =	vst v18;
	v18 =	vmul.f32 v36, v32  }
0x7b: {  	v43 =	vld [tilespmem:s26+$0x440];
	[tilespmem:s26+$0x3D0] =	vst v19;
	v19 =	vmul.f32 v37, v32  }
0x7c: {  	v44 =	vld [tilespmem:s26+$0x450];
	[tilespmem:s26+$0x3E0] =	vst v18;
	v18 =	vmul.f32 v38, v41  }
0x7d: {  	v45 =	vld [tilespmem:s26+$0x460];
	[tilespmem:s26+$0x3F0] =	vst v19;
	v19 =	vmul.f32 v39, v41  }
0x7e: {  	v46 =	vld [tilespmem:s26+$0x470];
	[tilespmem:s26+$0x400] =	vst v18;
	v18 =	vmul.f32 v40, v41  }
0x7f: {  	v47 =	vld [tilespmem:s26+$0x480];
	[tilespmem:s26+$0x410] =	vst v19;
	v19 =	vmul.f32 v42, v41  }
0x80: {  	v48 =	vld [tilespmem:s26+$0x490];
	[tilespmem:s26+$0x420] =	vst v18;
	v18 =	vmul.f32 v43, v41  }
0x81: {  	v49 =	vld [tilespmem:s26+$0x4A0];
	[tilespmem:s26+$0x430] =	vst v19;
	v19 =	vmul.f32 v44, v41  }
0x82: {  	v51 =	vld [tilespmem:s26+$0x4B0];
	v50 =	vperm.xlane v17, v7;
	[tilespmem:s26+$0x440] =	vst v18;
	v18 =	vmul.f32 v45, v41  }
0x83: {  	v52 =	vld [tilespmem:s26+$0x4C0];
	[tilespmem:s26+$0x450] =	vst v19;
	v19 =	vmul.f32 v46, v41  }
0x84: {  	v53 =	vld [tilespmem:s26+$0x4D0];
	[tilespmem:s26+$0x460] =	vst v18;
	v18 =	vmul.f32 v47, v50  }
0x85: {  	v54 =	vld [tilespmem:s26+$0x4E0];
	[tilespmem:s26+$0x470] =	vst v19;
	v19 =	vmul.f32 v48, v50  }
0x86: {  	v55 =	vld [tilespmem:s26+$0x4F0];
	[tilespmem:s26+$0x480] =	vst v18;
	v18 =	vmul.f32 v49, v50  }
0x87: {  	v56 =	vld [tilespmem:s26+$0x500];
	[tilespmem:s26+$0x490] =	vst v19;
	v19 =	vmul.f32 v51, v50  }
0x88: {  	v57 =	vld [tilespmem:s26+$0x510];
	[tilespmem:s26+$0x4A0] =	vst v18;
	v18 =	vmul.f32 v52, v50  }
0x89: {  	v58 =	vld [tilespmem:s26+$0x520];
	[tilespmem:s26+$0x4B0] =	vst v19;
	v19 =	vmul.f32 v53, v50  }
0x8a: {  	v60 =	vld [tilespmem:s26+$0x530];
	v59 =	vperm.xlane v17, v8;
	[tilespmem:s26+$0x4C0] =	vst v18;
	v18 =	vmul.f32 v54, v50  }
0x8b: {  	v61 =	vld [tilespmem:s26+$0x540];
	[tilespmem:s26+$0x4D0] =	vst v19;
	v19 =	vmul.f32 v55, v50  }
0x8c: {  	v62 =	vld [tilespmem:s26+$0x550];
	[tilespmem:s26+$0x4E0] =	vst v18;
	v18 =	vmul.f32 v56, v59  }
0x8d: {  	v63 =	vld [tilespmem:s26+$0x560];
	[tilespmem:s26+$0x4F0] =	vst v19;
	v19 =	vmul.f32 v57, v59  }
0x8e: {  	v28 =	vld [tilespmem:s26+$0x570];
	[tilespmem:s26+$0x500] =	vst v18;
	v18 =	vmul.f32 v58, v59  }
0x8f: {  	v29 =	vld [tilespmem:s26+$0x580];
	[tilespmem:s26+$0x510] =	vst v19;
	v19 =	vmul.f32 v60, v59  }
0x90: {  	v30 =	vld [tilespmem:s26+$0x590];
	[tilespmem:s26+$0x520] =	vst v18;
	v18 =	vmul.f32 v61, v59  }
0x91: {  	v31 =	vld [tilespmem:s26+$0x5A0];
	[tilespmem:s26+$0x530] =	vst v19;
	v19 =	vmul.f32 v62, v59  }
0x92: {  	v33 =	vld [tilespmem:s26+$0x5B0];
	v32 =	vperm.xlane v17, v9;
	[tilespmem:s26+$0x540] =	vst v18;
	v18 =	vmul.f32 v63, v59  }
0x93: {  	v34 =	vld [tilespmem:s26+$0x5C0];
	[tilespmem:s26+$0x550] =	vst v19;
	v19 =	vmul.f32 v28, v59  }
0x94: {  	v35 =	vld [tilespmem:s26+$0x5D0];
	[tilespmem:s26+$0x560] =	vst v18;
	v18 =	vmul.f32 v29, v32  }
0x95: {  	v36 =	vld [tilespmem:s26+$0x5E0];
	[tilespmem:s26+$0x570] =	vst v19;
	v19 =	vmul.f32 v30, v32  }
0x96: {  	v37 =	vld [tilespmem:s26+$0x5F0];
	[tilespmem:s26+$0x580] =	vst v18;
	v18 =	vmul.f32 v31, v32  }
0x97: {  	v38 =	vld [tilespmem:s26+$0x600];
	[tilespmem:s26+$0x590] =	vst v19;
	v19 =	vmul.f32 v33, v32  }
0x98: {  	v39 =	vld [tilespmem:s26+$0x610];
	[tilespmem:s26+$0x5A0] =	vst v18;
	v18 =	vmul.f32 v34, v32  }
0x99: {  	v40 =	vld [tilespmem:s26+$0x620];
	[tilespmem:s26+$0x5B0] =	vst v19;
	v19 =	vmul.f32 v35, v32  }
0x9a: {  	v42 =	vld [tilespmem:s26+$0x630];
	v41 =	vperm.xlane v17, v10;
	[tilespmem:s26+$0x5C0] =	vst v18;
	v18 =	vmul.f32 v36, v32  }
0x9b: {  	v43 =	vld [tilespmem:s26+$0x640];
	[tilespmem:s26+$0x5D0] =	vst v19;
	v19 =	vmul.f32 v37, v32  }
0x9c: {  	v44 =	vld [tilespmem:s26+$0x650];
	[tilespmem:s26+$0x5E0] =	vst v18;
	v18 =	vmul.f32 v38, v41  }
0x9d: {  	v45 =	vld [tilespmem:s26+$0x660];
	[tilespmem:s26+$0x5F0] =	vst v19;
	v19 =	vmul.f32 v39, v41  }
0x9e: {  	v46 =	vld [tilespmem:s26+$0x670];
	[tilespmem:s26+$0x600] =	vst v18;
	v18 =	vmul.f32 v40, v41  }
0x9f: {  	v47 =	vld [tilespmem:s26+$0x680];
	[tilespmem:s26+$0x610] =	vst v19;
	v19 =	vmul.f32 v42, v41  }
0xa0: {  	v48 =	vld [tilespmem:s26+$0x690];
	[tilespmem:s26+$0x620] =	vst v18;
	v18 =	vmul.f32 v43, v41  }
0xa1: {  	v49 =	vld [tilespmem:s26+$0x6A0];
	[tilespmem:s26+$0x630] =	vst v19;
	v19 =	vmul.f32 v44, v41  }
0xa2: {  	v51 =	vld [tilespmem:s26+$0x6B0];
	v50 =	vperm.xlane v17, v11;
	[tilespmem:s26+$0x640] =	vst v18;
	v18 =	vmul.f32 v45, v41  }
0xa3: {  	v52 =	vld [tilespmem:s26+$0x6C0];
	[tilespmem:s26+$0x650] =	vst v19;
	v19 =	vmul.f32 v46, v41  }
0xa4: {  	v53 =	vld [tilespmem:s26+$0x6D0];
	[tilespmem:s26+$0x660] =	vst v18;
	v18 =	vmul.f32 v47, v50  }
0xa5: {  	v54 =	vld [tilespmem:s26+$0x6E0];
	[tilespmem:s26+$0x670] =	vst v19;
	v19 =	vmul.f32 v48, v50  }
0xa6: {  	v55 =	vld [tilespmem:s26+$0x6F0];
	[tilespmem:s26+$0x680] =	vst v18;
	v18 =	vmul.f32 v49, v50  }
0xa7: {  	v56 =	vld [tilespmem:s26+$0x700];
	[tilespmem:s26+$0x690] =	vst v19;
	v19 =	vmul.f32 v51, v50  }
0xa8: {  	v57 =	vld [tilespmem:s26+$0x710];
	[tilespmem:s26+$0x6A0] =	vst v18;
	v18 =	vmul.f32 v52, v50  }
0xa9: {  	v58 =	vld [tilespmem:s26+$0x720];
	[tilespmem:s26+$0x6B0] =	vst v19;
	v19 =	vmul.f32 v53, v50  }
0xaa: {  	v60 =	vld [tilespmem:s26+$0x730];
	v59 =	vperm.xlane v17, v12;
	[tilespmem:s26+$0x6C0] =	vst v18;
	v18 =	vmul.f32 v54, v50  }
0xab: {  	v61 =	vld [tilespmem:s26+$0x740];
	[tilespmem:s26+$0x6D0] =	vst v19;
	v19 =	vmul.f32 v55, v50  }
0xac: {  	v62 =	vld [tilespmem:s26+$0x750];
	[tilespmem:s26+$0x6E0] =	vst v18;
	v18 =	vmul.f32 v56, v59  }
0xad: {  	v63 =	vld [tilespmem:s26+$0x760];
	[tilespmem:s26+$0x6F0] =	vst v19;
	v19 =	vmul.f32 v57, v59  }
0xae: {  	v28 =	vld [tilespmem:s26+$0x770];
	[tilespmem:s26+$0x700] =	vst v18;
	v18 =	vmul.f32 v58, v59  }
0xaf: {  	v29 =	vld [tilespmem:s26+$0x780];
	[tilespmem:s26+$0x710] =	vst v19;
	v19 =	vmul.f32 v60, v59  }
0xb0: {  	v30 =	vld [tilespmem:s26+$0x790];
	[tilespmem:s26+$0x720] =	vst v18;
	v18 =	vmul.f32 v61, v59  }
0xb1: {  	v31 =	vld [tilespmem:s26+$0x7A0];
	[tilespmem:s26+$0x730] =	vst v19;
	v19 =	vmul.f32 v62, v59  }
0xb2: {  	v33 =	vld [tilespmem:s26+$0x7B0];
	v32 =	vperm.xlane v17, v13;
	[tilespmem:s26+$0x740] =	vst v18;
	v18 =	vmul.f32 v63, v59  }
0xb3: {  	v34 =	vld [tilespmem:s26+$0x7C0];
	[tilespmem:s26+$0x750] =	vst v19;
	v19 =	vmul.f32 v28, v59  }
0xb4: {  	v35 =	vld [tilespmem:s26+$0x7D0];
	[tilespmem:s26+$0x760] =	vst v18;
	v18 =	vmul.f32 v29, v32  }
0xb5: {  	v36 =	vld [tilespmem:s26+$0x7E0];
	[tilespmem:s26+$0x770] =	vst v19;
	v19 =	vmul.f32 v30, v32  }
0xb6: {  	v37 =	vld [tilespmem:s26+$0x7F0];
	[tilespmem:s26+$0x780] =	vst v18;
	v18 =	vmul.f32 v31, v32  }
0xb7: {  	v38 =	vld [tilespmem:s26+$0x800];
	[tilespmem:s26+$0x790] =	vst v19;
	v19 =	vmul.f32 v33, v32  }
0xb8: {  	v39 =	vld [tilespmem:s26+$0x810];
	[tilespmem:s26+$0x7A0] =	vst v18;
	v18 =	vmul.f32 v34, v32  }
0xb9: {  	v40 =	vld [tilespmem:s26+$0x820];
	[tilespmem:s26+$0x7B0] =	vst v19;
	v19 =	vmul.f32 v35, v32  }
0xba: {  	v42 =	vld [tilespmem:s26+$0x830];
	v41 =	vperm.xlane v17, v14;
	[tilespmem:s26+$0x7C0] =	vst v18;
	v18 =	vmul.f32 v36, v32  }
0xbb: {  	v43 =	vld [tilespmem:s26+$0x840];
	[tilespmem:s26+$0x7D0] =	vst v19;
	v19 =	vmul.f32 v37, v32  }
0xbc: {  	v44 =	vld [tilespmem:s26+$0x850];
	[tilespmem:s26+$0x7E0] =	vst v18;
	v18 =	vmul.f32 v38, v41  }
0xbd: {  	v45 =	vld [tilespmem:s26+$0x860];
	[tilespmem:s26+$0x7F0] =	vst v19;
	v19 =	vmul.f32 v39, v41  }
0xbe: {  	v46 =	vld [tilespmem:s26+$0x870];
	[tilespmem:s26+$0x800] =	vst v18;
	v18 =	vmul.f32 v40, v41  }
0xbf: {  	v47 =	vld [tilespmem:s26+$0x880];
	[tilespmem:s26+$0x810] =	vst v19;
	v19 =	vmul.f32 v42, v41  }
0xc0: {  	v48 =	vld [tilespmem:s26+$0x890];
	[tilespmem:s26+$0x820] =	vst v18;
	v18 =	vmul.f32 v43, v41  }
0xc1: {  	v49 =	vld [tilespmem:s26+$0x8A0];
	[tilespmem:s26+$0x830] =	vst v19;
	v19 =	vmul.f32 v44, v41  }
0xc2: {  	v51 =	vld [tilespmem:s26+$0x8B0];
	v50 =	vperm.xlane v17, v15;
	[tilespmem:s26+$0x840] =	vst v18;
	v18 =	vmul.f32 v45, v41  }
0xc3: {  	v52 =	vld [tilespmem:s26+$0x8C0];
	[tilespmem:s26+$0x850] =	vst v19;
	v19 =	vmul.f32 v46, v41  }
0xc4: {  	v53 =	vld [tilespmem:s26+$0x8D0];
	[tilespmem:s26+$0x860] =	vst v18;
	v18 =	vmul.f32 v47, v50  }
0xc5: {  	v54 =	vld [tilespmem:s26+$0x8E0];
	[tilespmem:s26+$0x870] =	vst v19;
	v19 =	vmul.f32 v48, v50  }
0xc6: {  	v55 =	vld [tilespmem:s26+$0x8F0];
	[tilespmem:s26+$0x880] =	vst v18;
	v18 =	vmul.f32 v49, v50  }
0xc7: {  	v56 =	vld [tilespmem:s26+$0x900];
	[tilespmem:s26+$0x890] =	vst v19;
	v19 =	vmul.f32 v51, v50  }
0xc8: {  	v57 =	vld [tilespmem:s26+$0x910];
	[tilespmem:s26+$0x8A0] =	vst v18;
	v18 =	vmul.f32 v52, v50  }
0xc9: {  	v58 =	vld [tilespmem:s26+$0x920];
	[tilespmem:s26+$0x8B0] =	vst v19;
	v19 =	vmul.f32 v53, v50  }
0xca: {  	v17 =	vperm.xlane v17, v16;
	v59 =	vld [tilespmem:s26+$0x930];
	[tilespmem:s26+$0x8C0] =	vst v18;
	v18 =	vmul.f32 v54, v50  }
0xcb: {  	v60 =	vld [tilespmem:s26+$0x940];
	[tilespmem:s26+$0x8D0] =	vst v19;
	v19 =	vmul.f32 v55, v50  }
0xcc: {  	v61 =	vld [tilespmem:s26+$0x950];
	[tilespmem:s26+$0x8E0] =	vst v18;
	v18 =	vmul.f32 v56, v17  }
0xcd: {  	v62 =	vld [tilespmem:s26+$0x960];
	[tilespmem:s26+$0x8F0] =	vst v19;
	v19 =	vmul.f32 v57, v17  }
0xce: {  	v63 =	vld [tilespmem:s26+$0x970];
	[tilespmem:s26+$0x900] =	vst v18;
	v18 =	vmul.f32 v58, v17  }
0xcf: {  	[tilespmem:s26+$0x910] =	vst v19;
	v19 =	vmul.f32 v59, v17  }
0xd0: {  	p0 =	sne.s32 s25, $0x4;
	[tilespmem:s26+$0x920] =	vst v18;
	v18 =	vmul.f32 v60, v17  }
.Ltmp1:
0xd1: {  	[tilespmem:s26+$0x930] =	vst v19;
	v19 =	vmul.f32 v61, v17;
	(pc) =	sbr.rel @p0 .LBB2_5-.Ltmp1, $4  }
0xd2: {  	[tilespmem:s26+$0x940] =	vst v18;
	v18 =	vmul.f32 v62, v17  }
0xd3: {  	[tilespmem:s26+$0x950] =	vst v19;
	v17 =	vmul.f32 v63, v17  }
0xd4: {  	[tilespmem:s26+$0x960] =	vst v18  }
0xd5: {  	s25 =	sadd.s32 $0x1, s25;
	[tilespmem:s26+$0x970] =	vst v17  }
0xd6: {  	s24 =	sadd.s32 $0x1, s24  }
0xd7: {  	p0 =	sne.s32 s24, $0x7D  }
.Ltmp2:
0xd8: {  	_ = 	snop;
	(pc) =	sbr.rel @p0 .LBB2_4-.Ltmp2, $4  }
0xd9: {  	[spmem:s3] =	stream.indirect.scatter.add.f32 [tilespmem:s21], [sflag:$0x2], $0x80, s18, s20, $0xb8;
	[tilespmem:$0x1A980] =	vst v63  }
0xda: {  	_ =	swait.ge [sflag:s17], $0x2800  }
0xdb: {  	[sflag:s17] =	ssyncset.done $0x0  }
0xdc: {  	[sflag:s17] =	ssyncadd.s32 $0xFFFFD800  }
0xdd: {  	s5 =	sadd.s32 $0x1, s5  }
0xde: {  	s23 =	sshll.u32 s4, $0x6;
	[bflag:$0x0] =	sbarrier.arrive $0xFFFF;
	p0 =	sne.s32 s5, s15  }
.Ltmp3:
0xdf: {  	s24 =	sshrl.u32 s8, $0x3;
	s23 =	sor.u32 $0x1C02, s23;
	(pc) =	sbr.rel @p0 .LBB2_1-.Ltmp3, $4  }
0xe0: {  	[hbm:s14], [sflag:s23] =	dma.local [spmem:s24], $0x2800  }
0xe1: {  	_ =	swait.ge [sflag:s17], $0x2800  }
0xe2: {  	[sflag:s17] =	ssyncset.done $0x0  }
0xe3: {  	[sflag:s17] =	ssyncadd.s32 $0xFFFFD800  }
0xe4: {  	_ =	sfence.sel $0x180000  }
0xe5: {  	[bflag:$0x0] =	sbarrier.arrive $0xFFFF  }
0xe6: {  	p0 =	sne.s32 s4, $0x0;
	_ =	strace $0x90000047  }
0xe7: {  	s0 =	sadd.s32 @!p0 $0x100000, s0;
	[bflag:$0x2] =	sbarrier.arrive $0xFFFF  }
0xe8: {  	[sflag:s0] =	ssyncadd.tile.s32 @!p0 $0x1;
	_ =	shalt  }
.Lfunc_end2:
_tile_overlayer_lowered:
.L_overlay_start_2:
0xe9: {  	(tag) =	ssettag $0x2  }
0xea: {  	s0 =	rddreg [dreg:$0x0];
	s2 =	stileid.u32  }
0xeb: {  	s1 =	rddreg [dreg:$0x1];
	p0 =	sne.s32 s2, $0x0  }
0xec: {  	s3 =	rddreg [dreg:$0x2];
	[bflag:$0x3] =	sbarrier.arrive $0xFFFF;
	s2 =	simm.s32 @!p0 $0x1C02  }
0xed: {  	[timem:s3], [sflag:s2] =	dma.local @!p0 [hbm:s0], s1  }
0xee: {  	s0 =	simm.s32 @!p0 $0x2  }
0xef: {  	_ =	swait.ge @!p0 [sflag:s0], s1  }
0xf0: {  	s1 =	ssub.s32 @!p0 $0x0, s1;
	[sflag:s0] =	ssyncset.done @!p0 $0x0  }
0xf1: {  	[sflag:s0] =	ssyncadd.s32 @!p0 s1  }
0xf2: {  	[bflag:$0x3] =	sbarrier.arrive $0xFFFF  }
0xf3: {  	_ =	shalt  }

</sc_bundles>
